<compile_context>
chip_gen: v7x
topology: tpu7x:2x2x1
jax: 0.10.2.dev20260603
libtpu: 0.0.44.dev20260713+nightly
codegen_flags: <defaults>
</compile_context>

<pallas_src>
import functools

import jax
import jax.numpy as jnp
from jax import lax
from jax.experimental import pallas as pl
from jax.experimental.pallas import tpu as pltpu
from jax.experimental.pallas import tpu_sc as plsc

_LANES = 16


@functools.cache
def _make_sc_gather(V, D, B):
    info = plsc.get_sparse_core_info()
    NC, NS = info.num_cores, info.num_subcores
    NW = NC * NS
    assert B % (_LANES * NW) == 0
    b_per_w = B // NW
    mesh = plsc.VectorSubcoreMesh(core_axis_name="c", subcore_axis_name="s")

    @functools.partial(
        pl.kernel,
        mesh=mesh,
        out_type=jax.ShapeDtypeStruct((B // 8, 8, D), jnp.float32),
        scratch_types=[
            pltpu.VMEM((b_per_w,), jnp.int32),
            pltpu.VMEM((b_per_w // 8, 8, D), jnp.float32),
            pltpu.SemaphoreType.DMA,
        ],
        compiler_params=pltpu.CompilerParams(needs_layout_passes=False, has_side_effects=False),
    )
    def gather_kernel(idx_hbm, table_hbm, out_hbm, g_v, rows_v, sem):
        wid = lax.axis_index("s") * NC + lax.axis_index("c")
        base = wid * b_per_w
        pltpu.sync_copy(idx_hbm.at[pl.ds(base, b_per_w)], g_v)

        def fire(j, _):
            g16 = g_v[pl.ds(j * _LANES, _LANES)]
            i0 = j * _LANES
            for l in range(_LANES):
                i = i0 + l
                pltpu.async_copy(table_hbm.at[g16[l]], rows_v.at[i // 8, i % 8], sem)
            return 0

        lax.fori_loop(0, b_per_w // _LANES, fire, 0)

        def drain(i, _):
            pltpu.make_async_copy(table_hbm.at[0], rows_v.at[0, 0], sem).wait()
            return 0

        lax.fori_loop(0, b_per_w, drain, 0)
        pltpu.sync_copy(rows_v, out_hbm.at[pl.ds(wid * (b_per_w // 8), b_per_w // 8)])

    return gather_kernel


@functools.cache
def _make_tc_gather(V, D, B, nq=8):
    assert B % nq == 0

    def body(idx_smem, table_hbm, out_hbm, rows_v, *sems):
        def fire(j, _):
            i0 = j * nq
            for l in range(nq):
                g = idx_smem[i0 + l]
                pltpu.make_async_copy(
                    table_hbm.at[pl.ds(g, 1)], rows_v.at[pl.ds(i0 + l, 1)], sems[l]
                ).start()
            return 0

        lax.fori_loop(0, B // nq, fire, 0)

        def drain(j, _):
            i0 = j * nq
            for l in range(nq):
                pltpu.make_async_copy(
                    table_hbm.at[pl.ds(0, 1)], rows_v.at[pl.ds(i0 + l, 1)], sems[l]
                ).wait()
            return 0

        lax.fori_loop(0, B // nq, drain, 0)
        pltpu.make_async_copy(rows_v, out_hbm, sems[0]).start()
        pltpu.make_async_copy(rows_v, out_hbm, sems[0]).wait()

    return pl.pallas_call(
        body,
        out_shape=jax.ShapeDtypeStruct((B, D), jnp.float32),
        in_specs=[
            pl.BlockSpec(memory_space=pltpu.SMEM),
            pl.BlockSpec(memory_space=pl.ANY),
        ],
        out_specs=pl.BlockSpec(memory_space=pl.ANY),
        scratch_shapes=[pltpu.VMEM((B, D), jnp.float32)]
        + [pltpu.SemaphoreType.DMA] * nq,
        compiler_params=pltpu.CompilerParams(has_side_effects=False),
    )


@jax.jit
def kernel(g, table):
    V, D = table.shape
    B = g.shape[0]
    g32 = g.astype(jnp.int32)
    b_sc = min(B, (B * 17 // 32) // 512 * 512)
    b_tc = B - b_sc
    if b_sc == 0:
        return _make_tc_gather(V, D, B)(g32, table)
    out_sc = _make_sc_gather(V, D, b_sc)(g32[:b_sc], table).reshape(b_sc, D)
    if b_tc == 0:
        return out_sc
    out_tc = _make_tc_gather(V, D, b_tc)(g32[b_sc:], table)
    return jnp.concatenate([out_sc, out_tc], axis=0)

# --- scband reference (transcript-rebuilt; emitter-appended) ---
"""Pipeline reference for scband-embedding-layer-85796266705310 (READ-ONLY COPY).

The authoritative reference and input builder live on the scoring server;
editing this copy changes nothing except your own understanding.
"""

import jax, jax.numpy as jnp
import numpy as np

NUM_NODES = 1000000
H_DIM = 64
BATCH = 16384


def setup_inputs(seed: int = 0) -> dict:
    key = jax.random.key(seed)
    k_idx, k_tab = jax.random.split(key)
    g = jax.random.randint(k_idx, (BATCH,), 0, NUM_NODES, dtype=jnp.int64 if jax.config.jax_enable_x64 else jnp.int32)
    table = jax.random.normal(k_tab, (NUM_NODES, H_DIM), dtype=jnp.float32)
    return {"g": g, "table": table}


def reference(g, table):
    # Faithful translation of nn.Embedding forward: row gather from the table.
    return jnp.take(table, g, axis=0)

if __name__ == "__main__":
    import jax
    _d = setup_inputs()
    print(jax.jit(kernel)(*tuple(_d.values())))

</pallas_src>

<mosaic_0001>
#map = affine_map<(d0, d1) -> (0)>
#map1 = affine_map<(d0, d1) -> (0, 0)>
#map2 = affine_map<(d0, d1) -> (0, 0, 0)>
module attributes {stable_mosaic.version = 14 : i64} {
  func.func @gather_kernel(%arg0: i32, %arg1: i32, %arg2: memref<8704xi32, #tpu.memory_space<hbm>>, %arg3: memref<1000000x64xf32, #tpu.memory_space<hbm>>, %arg4: memref<1088x8x64xf32, #tpu.memory_space<hbm>>, %arg5: memref<272xi32, #tpu.memory_space<vmem>>, %arg6: memref<34x8x64xf32, #tpu.memory_space<vmem>>, %arg7: memref<!tpu.dma_semaphore, #tpu.memory_space<semaphore_mem>>) attributes {dimension_semantics = [#tpu.dimension_semantics<core_parallel>, #tpu.dimension_semantics<subcore_parallel>], iteration_bounds = array<i64: 2, 16>, scalar_prefetch = 0 : i64, scratch_operands = 3 : i64, tpu.core_type = #tpu.core_type<sc_vector_subcore>, window_params = [{transform_indices = #map}, {transform_indices = #map1}, {transform_indices = #map2}]} {
    %mul3A = arith.constant 2 : i32
    %mul3A_0 = arith.muli %arg1, %mul3A : i32
    %add3A = arith.addi %mul3A_0, %arg0 : i32
    %mul3A_1 = arith.constant 272 : i32
    %mul3A_2 = arith.muli %add3A, %mul3A_1 : i32
    "tpu.region"() ({
      %run_scoped3A = tpu.sem_alloc : memref<!tpu.dma_semaphore, #tpu.memory_space<semaphore_mem>>
      %dma_start3A = tpu.memref_slice %arg2[%mul3A_2] : memref<8704xi32, #tpu.memory_space<hbm>> -> memref<272xi32, #tpu.memory_space<hbm>>
      %dma_start3A_18 = tpu.memref_slice %arg2[%mul3A_2] : memref<8704xi32, #tpu.memory_space<hbm>> -> memref<272xi32, #tpu.memory_space<hbm>>
      tpu.enqueue_dma source(%dma_start3A_18 : memref<272xi32, #tpu.memory_space<hbm>>) target(%arg5 : memref<272xi32, #tpu.memory_space<vmem>>) target_semaphore(%run_scoped3A : memref<!tpu.dma_semaphore, #tpu.memory_space<semaphore_mem>>)
      %dma_wait3A = tpu.memref_slice %arg2[%mul3A_2] : memref<8704xi32, #tpu.memory_space<hbm>> -> memref<272xi32, #tpu.memory_space<hbm>>
      %dma_wait3A_19 = tpu.memref_slice %arg2[%mul3A_2] : memref<8704xi32, #tpu.memory_space<hbm>> -> memref<272xi32, #tpu.memory_space<hbm>>
      tpu.wait_dma2 semaphore(%run_scoped3A : memref<!tpu.dma_semaphore, #tpu.memory_space<semaphore_mem>>) src(%dma_wait3A_19 : memref<272xi32, #tpu.memory_space<hbm>>) dst(%arg5 : memref<272xi32, #tpu.memory_space<vmem>>)
      tpu.yield
    }) : () -> ()
    %scan3A = arith.constant 0 : i32
    %scan3A_3 = arith.constant 0 : i32
    %scan3A_4 = arith.constant 17 : i32
    %scan3A_5 = arith.addi %scan3A_3, %scan3A_4 : i32
    %scan3A_6 = arith.constant 1 : i32
    %scan3A_7 = scf.for %scan3A_18 = %scan3A_3 to %scan3A_5 step %scan3A_6 iter_args(%scan3A_19 = %scan3A) -> (i32)  : i32 {
      %mul3A_20 = arith.constant 16 : i32
      %mul3A_21 = arith.muli %scan3A_18, %mul3A_20 : i32
      %get3A = arith.index_cast %mul3A_21 : i32 to index
      %get3A_22 = tpu.vector_load %arg5[%get3A] {strides = array<i32>} : memref<272xi32, #tpu.memory_space<vmem>>, vector<16xi32>,
      %mul3A_23 = arith.constant 16 : i32
      %mul3A_24 = arith.muli %scan3A_18, %mul3A_23 : i32
      %add3A_25 = arith.constant 0 : i32
      %add3A_26 = arith.addi %mul3A_24, %add3A_25 : i32
      %slice3A = vector.extract_strided_slice %get3A_22 {offsets = [0], sizes = [1], strides = [1]} : vector<16xi32> to vector<1xi32>
      %squeeze3A = vector.extract %slice3A[0] : i32 from vector<1xi32>
      %jit3A = arith.constant 8 : i32
      %div3A = arith.divsi %add3A_26, %jit3A : i32
      %sign3A = arith.constant 0 : i32
      %sign3A_27 = arith.cmpi sgt, %add3A_26, %sign3A : i32
      %sign3A_28 = arith.extui %sign3A_27 : i1 to i32
      %sign3A_29 = arith.constant 0 : i32
      %sign3A_30 = arith.cmpi slt, %add3A_26, %sign3A_29 : i32
      %sign3A_31 = arith.extui %sign3A_30 : i1 to i32
      %sign3A_32 = arith.subi %sign3A_28, %sign3A_31 : i32
      %sign3A_33 = arith.constant 0 : i32
      %sign3A_34 = arith.cmpi sgt, %jit3A, %sign3A_33 : i32
      %sign3A_35 = arith.extui %sign3A_34 : i1 to i32
      %sign3A_36 = arith.constant 0 : i32
      %sign3A_37 = arith.cmpi slt, %jit3A, %sign3A_36 : i32
      %sign3A_38 = arith.extui %sign3A_37 : i1 to i32
      %sign3A_39 = arith.subi %sign3A_35, %sign3A_38 : i32
      %ne3A = arith.cmpi ne, %sign3A_32, %sign3A_39 : i32
      %rem3A = arith.remsi %add3A_26, %jit3A : i32
      %ne3A_40 = arith.constant 0 : i32
      %ne3A_41 = arith.cmpi ne, %rem3A, %ne3A_40 : i32
      %and3A = arith.andi %ne3A, %ne3A_41 : i1
      %sub3A = arith.constant 1 : i32
      %sub3A_42 = arith.subi %div3A, %sub3A : i32
      %select_n3A = arith.select %and3A, %sub3A_42, %div3A : i32
      %jit3A_43 = arith.constant 8 : i32
      %eq3A = arith.constant 0 : i32
      %eq3A_44 = arith.cmpi eq, %jit3A_43, %eq3A : i32
      %jit3A_45 = arith.constant 1 : i32
      %select_n3A_46 = arith.select %eq3A_44, %jit3A_45, %jit3A_43 : i32
      %rem3A_47 = arith.remsi %add3A_26, %select_n3A_46 : i32
      %ne3A_48 = arith.constant 0 : i32
      %ne3A_49 = arith.cmpi ne, %rem3A_47, %ne3A_48 : i32
      %lt3A = arith.constant 0 : i32
      %lt3A_50 = arith.cmpi slt, %rem3A_47, %lt3A : i32
      %lt3A_51 = arith.constant 0 : i32
      %lt3A_52 = arith.cmpi slt, %select_n3A_46, %lt3A_51 : i32
      %ne3A_53 = arith.xori %lt3A_50, %lt3A_52 : i1
      %and3A_54 = arith.andi %ne3A_53, %ne3A_49 : i1
      %add3A_55 = arith.addi %rem3A_47, %select_n3A_46 : i32
      %select_n3A_56 = arith.select %and3A_54, %add3A_55, %rem3A_47 : i32
      %dma_start3A = arith.constant 0 : i32
      %dma_start3A_57 = tpu.memref_slice %arg6[%select_n3A, %select_n3A_56, %dma_start3A] : memref<34x8x64xf32, #tpu.memory_space<vmem>> -> memref<1x1x64xf32, #tpu.memory_space<vmem>>
      %dma_start3A_58 = tpu.memref_squeeze %dma_start3A_57 : memref<1x1x64xf32, #tpu.memory_space<vmem>> -> memref<64xf32, #tpu.memory_space<vmem>>
      %dma_start3A_59 = arith.constant 0 : i32
      %dma_start3A_60 = tpu.memref_slice %arg3[%squeeze3A, %dma_start3A_59] : memref<1000000x64xf32, #tpu.memory_space<hbm>> -> memref<1x64xf32, #tpu.memory_space<hbm>>
      %dma_start3A_61 = tpu.memref_squeeze %dma_start3A_60 : memref<1x64xf32, #tpu.memory_space<hbm>> -> memref<64xf32, #tpu.memory_space<hbm>>
      %dma_start3A_62 = arith.constant 0 : i32
      %dma_start3A_63 = tpu.memref_slice %arg6[%select_n3A, %select_n3A_56, %dma_start3A_62] : memref<34x8x64xf32, #tpu.memory_space<vmem>> -> memref<1x1x64xf32, #tpu.memory_space<vmem>>
      %dma_start3A_64 = tpu.memref_squeeze %dma_start3A_63 : memref<1x1x64xf32, #tpu.memory_space<vmem>> -> memref<64xf32, #tpu.memory_space<vmem>>
      %dma_start3A_65 = arith.constant 0 : i32
      %dma_start3A_66 = tpu.memref_slice %arg3[%squeeze3A, %dma_start3A_65] : memref<1000000x64xf32, #tpu.memory_space<hbm>> -> memref<1x64xf32, #tpu.memory_space<hbm>>
      %dma_start3A_67 = tpu.memref_squeeze %dma_start3A_66 : memref<1x64xf32, #tpu.memory_space<hbm>> -> memref<64xf32, #tpu.memory_space<hbm>>
      tpu.enqueue_dma source(%dma_start3A_67 : memref<64xf32, #tpu.memory_space<hbm>>) target(%dma_start3A_64 : memref<64xf32, #tpu.memory_space<vmem>>) target_semaphore(%arg7 : memref<!tpu.dma_semaphore, #tpu.memory_space<semaphore_mem>>)
      %add3A_68 = arith.constant 1 : i32
      %add3A_69 = arith.addi %mul3A_24, %add3A_68 : i32
      %slice3A_70 = vector.extract_strided_slice %get3A_22 {offsets = [1], sizes = [1], strides = [1]} : vector<16xi32> to vector<1xi32>
      %squeeze3A_71 = vector.extract %slice3A_70[0] : i32 from vector<1xi32>
      %jit3A_72 = arith.constant 8 : i32
      %div3A_73 = arith.divsi %add3A_69, %jit3A_72 : i32
      %sign3A_74 = arith.constant 0 : i32
      %sign3A_75 = arith.cmpi sgt, %add3A_69, %sign3A_74 : i32
      %sign3A_76 = arith.extui %sign3A_75 : i1 to i32
      %sign3A_77 = arith.constant 0 : i32
      %sign3A_78 = arith.cmpi slt, %add3A_69, %sign3A_77 : i32
      %sign3A_79 = arith.extui %sign3A_78 : i1 to i32
      %sign3A_80 = arith.subi %sign3A_76, %sign3A_79 : i32
      %sign3A_81 = arith.constant 0 : i32
      %sign3A_82 = arith.cmpi sgt, %jit3A_72, %sign3A_81 : i32
      %sign3A_83 = arith.extui %sign3A_82 : i1 to i32
      %sign3A_84 = arith.constant 0 : i32
      %sign3A_85 = arith.cmpi slt, %jit3A_72, %sign3A_84 : i32
      %sign3A_86 = arith.extui %sign3A_85 : i1 to i32
      %sign3A_87 = arith.subi %sign3A_83, %sign3A_86 : i32
      %ne3A_88 = arith.cmpi ne, %sign3A_80, %sign3A_87 : i32
      %rem3A_89 = arith.remsi %add3A_69, %jit3A_72 : i32
      %ne3A_90 = arith.constant 0 : i32
      %ne3A_91 = arith.cmpi ne, %rem3A_89, %ne3A_90 : i32
      %and3A_92 = arith.andi %ne3A_88, %ne3A_91 : i1
      %sub3A_93 = arith.constant 1 : i32
      %sub3A_94 = arith.subi %div3A_73, %sub3A_93 : i32
      %select_n3A_95 = arith.select %and3A_92, %sub3A_94, %div3A_73 : i32
      %jit3A_96 = arith.constant 8 : i32
      %eq3A_97 = arith.constant 0 : i32
      %eq3A_98 = arith.cmpi eq, %jit3A_96, %eq3A_97 : i32
      %jit3A_99 = arith.constant 1 : i32
      %select_n3A_100 = arith.select %eq3A_98, %jit3A_99, %jit3A_96 : i32
      %rem3A_101 = arith.remsi %add3A_69, %select_n3A_100 : i32
      %ne3A_102 = arith.constant 0 : i32
      %ne3A_103 = arith.cmpi ne, %rem3A_101, %ne3A_102 : i32
      %lt3A_104 = arith.constant 0 : i32
      %lt3A_105 = arith.cmpi slt, %rem3A_101, %lt3A_104 : i32
      %lt3A_106 = arith.constant 0 : i32
      %lt3A_107 = arith.cmpi slt, %select_n3A_100, %lt3A_106 : i32
      %ne3A_108 = arith.xori %lt3A_105, %lt3A_107 : i1
      %and3A_109 = arith.andi %ne3A_108, %ne3A_103 : i1
      %add3A_110 = arith.addi %rem3A_101, %select_n3A_100 : i32
      %select_n3A_111 = arith.select %and3A_109, %add3A_110, %rem3A_101 : i32
      %dma_start3A_112 = arith.constant 0 : i32
      %dma_start3A_113 = tpu.memref_slice %arg6[%select_n3A_95, %select_n3A_111, %dma_start3A_112] : memref<34x8x64xf32, #tpu.memory_space<vmem>> -> memref<1x1x64xf32, #tpu.memory_space<vmem>>
      %dma_start3A_114 = tpu.memref_squeeze %dma_start3A_113 : memref<1x1x64xf32, #tpu.memory_space<vmem>> -> memref<64xf32, #tpu.memory_space<vmem>>
      %dma_start3A_115 = arith.constant 0 : i32
      %dma_start3A_116 = tpu.memref_slice %arg3[%squeeze3A_71, %dma_start3A_115] : memref<1000000x64xf32, #tpu.memory_space<hbm>> -> memref<1x64xf32, #tpu.memory_space<hbm>>
      %dma_start3A_117 = tpu.memref_squeeze %dma_start3A_116 : memref<1x64xf32, #tpu.memory_space<hbm>> -> memref<64xf32, #tpu.memory_space<hbm>>
      %dma_start3A_118 = arith.constant 0 : i32
      %dma_start3A_119 = tpu.memref_slice %arg6[%select_n3A_95, %select_n3A_111, %dma_start3A_118] : memref<34x8x64xf32, #tpu.memory_space<vmem>> -> memref<1x1x64xf32, #tpu.memory_space<vmem>>
      %dma_start3A_120 = tpu.memref_squeeze %dma_start3A_119 : memref<1x1x64xf32, #tpu.memory_space<vmem>> -> memref<64xf32, #tpu.memory_space<vmem>>
      %dma_start3A_121 = arith.constant 0 : i32
      %dma_start3A_122 = tpu.memref_slice %arg3[%squeeze3A_71, %dma_start3A_121] : memref<1000000x64xf32, #tpu.memory_space<hbm>> -> memref<1x64xf32, #tpu.memory_space<hbm>>
      %dma_start3A_123 = tpu.memref_squeeze %dma_start3A_122 : memref<1x64xf32, #tpu.memory_space<hbm>> -> memref<64xf32, #tpu.memory_space<hbm>>
      tpu.enqueue_dma source(%dma_start3A_123 : memref<64xf32, #tpu.memory_space<hbm>>) target(%dma_start3A_120 : memref<64xf32, #tpu.memory_space<vmem>>) target_semaphore(%arg7 : memref<!tpu.dma_semaphore, #tpu.memory_space<semaphore_mem>>)
      %add3A_124 = arith.constant 2 : i32
      %add3A_125 = arith.addi %mul3A_24, %add3A_124 : i32
      %slice3A_126 = vector.extract_strided_slice %get3A_22 {offsets = [2], sizes = [1], strides = [1]} : vector<16xi32> to vector<1xi32>
      %squeeze3A_127 = vector.extract %slice3A_126[0] : i32 from vector<1xi32>
      %jit3A_128 = arith.constant 8 : i32
      %div3A_129 = arith.divsi %add3A_125, %jit3A_128 : i32
      %sign3A_130 = arith.constant 0 : i32
      %sign3A_131 = arith.cmpi sgt, %add3A_125, %sign3A_130 : i32
      %sign3A_132 = arith.extui %sign3A_131 : i1 to i32
      %sign3A_133 = arith.constant 0 : i32
      %sign3A_134 = arith.cmpi slt, %add3A_125, %sign3A_133 : i32
      %sign3A_135 = arith.extui %sign3A_134 : i1 to i32
      %sign3A_136 = arith.subi %sign3A_132, %sign3A_135 : i32
      %sign3A_137 = arith.constant 0 : i32
      %sign3A_138 = arith.cmpi sgt, %jit3A_128, %sign3A_137 : i32
      %sign3A_139 = arith.extui %sign3A_138 : i1 to i32
      %sign3A_140 = arith.constant 0 : i32
      %sign3A_141 = arith.cmpi slt, %jit3A_128, %sign3A_140 : i32
      %sign3A_142 = arith.extui %sign3A_141 : i1 to i32
      %sign3A_143 = arith.subi %sign3A_139, %sign3A_142 : i32
      %ne3A_144 = arith.cmpi ne, %sign3A_136, %sign3A_143 : i32
      %rem3A_145 = arith.remsi %add3A_125, %jit3A_128 : i32
      %ne3A_146 = arith.constant 0 : i32
      %ne3A_147 = arith.cmpi ne, %rem3A_145, %ne3A_146 : i32
      %and3A_148 = arith.andi %ne3A_144, %ne3A_147 : i1
      %sub3A_149 = arith.constant 1 : i32
      %sub3A_150 = arith.subi %div3A_129, %sub3A_149 : i32
      %select_n3A_151 = arith.select %and3A_148, %sub3A_150, %div3A_129 : i32
      %jit3A_152 = arith.constant 8 : i32
      %eq3A_153 = arith.constant 0 : i32
      %eq3A_154 = arith.cmpi eq, %jit3A_152, %eq3A_153 : i32
      %jit3A_155 = arith.constant 1 : i32
      %select_n3A_156 = arith.select %eq3A_154, %jit3A_155, %jit3A_152 : i32
      %rem3A_157 = arith.remsi %add3A_125, %select_n3A_156 : i32
      %ne3A_158 = arith.constant 0 : i32
      %ne3A_159 = arith.cmpi ne, %rem3A_157, %ne3A_158 : i32
      %lt3A_160 = arith.constant 0 : i32
      %lt3A_161 = arith.cmpi slt, %rem3A_157, %lt3A_160 : i32
      %lt3A_162 = arith.constant 0 : i32
      %lt3A_163 = arith.cmpi slt, %select_n3A_156, %lt3A_162 : i32
      %ne3A_164 = arith.xori %lt3A_161, %lt3A_163 : i1
      %and3A_165 = arith.andi %ne3A_164, %ne3A_159 : i1
      %add3A_166 = arith.addi %rem3A_157, %select_n3A_156 : i32
      %select_n3A_167 = arith.select %and3A_165, %add3A_166, %rem3A_157 : i32
      %dma_start3A_168 = arith.constant 0 : i32
      %dma_start3A_169 = tpu.memref_slice %arg6[%select_n3A_151, %select_n3A_167, %dma_start3A_168] : memref<34x8x64xf32, #tpu.memory_space<vmem>> -> memref<1x1x64xf32, #tpu.memory_space<vmem>>
      %dma_start3A_170 = tpu.memref_squeeze %dma_start3A_169 : memref<1x1x64xf32, #tpu.memory_space<vmem>> -> memref<64xf32, #tpu.memory_space<vmem>>
      %dma_start3A_171 = arith.constant 0 : i32
      %dma_start3A_172 = tpu.memref_slice %arg3[%squeeze3A_127, %dma_start3A_171] : memref<1000000x64xf32, #tpu.memory_space<hbm>> -> memref<1x64xf32, #tpu.memory_space<hbm>>
      %dma_start3A_173 = tpu.memref_squeeze %dma_start3A_172 : memref<1x64xf32, #tpu.memory_space<hbm>> -> memref<64xf32, #tpu.memory_space<hbm>>
      %dma_start3A_174 = arith.constant 0 : i32
      %dma_start3A_175 = tpu.memref_slice %arg6[%select_n3A_151, %select_n3A_167, %dma_start3A_174] : memref<34x8x64xf32, #tpu.memory_space<vmem>> -> memref<1x1x64xf32, #tpu.memory_space<vmem>>
      %dma_start3A_176 = tpu.memref_squeeze %dma_start3A_175 : memref<1x1x64xf32, #tpu.memory_space<vmem>> -> memref<64xf32, #tpu.memory_space<vmem>>
      %dma_start3A_177 = arith.constant 0 : i32
      %dma_start3A_178 = tpu.memref_slice %arg3[%squeeze3A_127, %dma_start3A_177] : memref<1000000x64xf32, #tpu.memory_space<hbm>> -> memref<1x64xf32, #tpu.memory_space<hbm>>
      %dma_start3A_179 = tpu.memref_squeeze %dma_start3A_178 : memref<1x64xf32, #tpu.memory_space<hbm>> -> memref<64xf32, #tpu.memory_space<hbm>>
      tpu.enqueue_dma source(%dma_start3A_179 : memref<64xf32, #tpu.memory_space<hbm>>) target(%dma_start3A_176 : memref<64xf32, #tpu.memory_space<vmem>>) target_semaphore(%arg7 : memref<!tpu.dma_semaphore, #tpu.memory_space<semaphore_mem>>)
      %add3A_180 = arith.constant 3 : i32
      %add3A_181 = arith.addi %mul3A_24, %add3A_180 : i32
      %slice3A_182 = vector.extract_strided_slice %get3A_22 {offsets = [3], sizes = [1], strides = [1]} : vector<16xi32> to vector<1xi32>
      %squeeze3A_183 = vector.extract %slice3A_182[0] : i32 from vector<1xi32>
      %jit3A_184 = arith.constant 8 : i32
      %div3A_185 = arith.divsi %add3A_181, %jit3A_184 : i32
      %sign3A_186 = arith.constant 0 : i32
      %sign3A_187 = arith.cmpi sgt, %add3A_181, %sign3A_186 : i32
      %sign3A_188 = arith.extui %sign3A_187 : i1 to i32
      %sign3A_189 = arith.constant 0 : i32
      %sign3A_190 = arith.cmpi slt, %add3A_181, %sign3A_189 : i32
      %sign3A_191 = arith.extui %sign3A_190 : i1 to i32
      %sign3A_192 = arith.subi %sign3A_188, %sign3A_191 : i32
      %sign3A_193 = arith.constant 0 : i32
      %sign3A_194 = arith.cmpi sgt, %jit3A_184, %sign3A_193 : i32
      %sign3A_195 = arith.extui %sign3A_194 : i1 to i32
      %sign3A_196 = arith.constant 0 : i32
      %sign3A_197 = arith.cmpi slt, %jit3A_184, %sign3A_196 : i32
      %sign3A_198 = arith.extui %sign3A_197 : i1 to i32
      %sign3A_199 = arith.subi %sign3A_195, %sign3A_198 : i32
      %ne3A_200 = arith.cmpi ne, %sign3A_192, %sign3A_199 : i32
      %rem3A_201 = arith.remsi %add3A_181, %jit3A_184 : i32
      %ne3A_202 = arith.constant 0 : i32
      %ne3A_203 = arith.cmpi ne, %rem3A_201, %ne3A_202 : i32
      %and3A_204 = arith.andi %ne3A_200, %ne3A_203 : i1
      %sub3A_205 = arith.constant 1 : i32
      %sub3A_206 = arith.subi %div3A_185, %sub3A_205 : i32
      %select_n3A_207 = arith.select %and3A_204, %sub3A_206, %div3A_185 : i32
      %jit3A_208 = arith.constant 8 : i32
      %eq3A_209 = arith.constant 0 : i32
      %eq3A_210 = arith.cmpi eq, %jit3A_208, %eq3A_209 : i32
      %jit3A_211 = arith.constant 1 : i32
      %select_n3A_212 = arith.select %eq3A_210, %jit3A_211, %jit3A_208 : i32
      %rem3A_213 = arith.remsi %add3A_181, %select_n3A_212 : i32
      %ne3A_214 = arith.constant 0 : i32
      %ne3A_215 = arith.cmpi ne, %rem3A_213, %ne3A_214 : i32
      %lt3A_216 = arith.constant 0 : i32
      %lt3A_217 = arith.cmpi slt, %rem3A_213, %lt3A_216 : i32
      %lt3A_218 = arith.constant 0 : i32
      %lt3A_219 = arith.cmpi slt, %select_n3A_212, %lt3A_218 : i32
      %ne3A_220 = arith.xori %lt3A_217, %lt3A_219 : i1
      %and3A_221 = arith.andi %ne3A_220, %ne3A_215 : i1
      %add3A_222 = arith.addi %rem3A_213, %select_n3A_212 : i32
      %select_n3A_223 = arith.select %and3A_221, %add3A_222, %rem3A_213 : i32
      %dma_start3A_224 = arith.constant 0 : i32
      %dma_start3A_225 = tpu.memref_slice %arg6[%select_n3A_207, %select_n3A_223, %dma_start3A_224] : memref<34x8x64xf32, #tpu.memory_space<vmem>> -> memref<1x1x64xf32, #tpu.memory_space<vmem>>
      %dma_start3A_226 = tpu.memref_squeeze %dma_start3A_225 : memref<1x1x64xf32, #tpu.memory_space<vmem>> -> memref<64xf32, #tpu.memory_space<vmem>>
      %dma_start3A_227 = arith.constant 0 : i32
      %dma_start3A_228 = tpu.memref_slice %arg3[%squeeze3A_183, %dma_start3A_227] : memref<1000000x64xf32, #tpu.memory_space<hbm>> -> memref<1x64xf32, #tpu.memory_space<hbm>>
      %dma_start3A_229 = tpu.memref_squeeze %dma_start3A_228 : memref<1x64xf32, #tpu.memory_space<hbm>> -> memref<64xf32, #tpu.memory_space<hbm>>
      %dma_start3A_230 = arith.constant 0 : i32
      %dma_start3A_231 = tpu.memref_slice %arg6[%select_n3A_207, %select_n3A_223, %dma_start3A_230] : memref<34x8x64xf32, #tpu.memory_space<vmem>> -> memref<1x1x64xf32, #tpu.memory_space<vmem>>
      %dma_start3A_232 = tpu.memref_squeeze %dma_start3A_231 : memref<1x1x64xf32, #tpu.memory_space<vmem>> -> memref<64xf32, #tpu.memory_space<vmem>>
      %dma_start3A_233 = arith.constant 0 : i32
      %dma_start3A_234 = tpu.memref_slice %arg3[%squeeze3A_183, %dma_start3A_233] : memref<1000000x64xf32, #tpu.memory_space<hbm>> -> memref<1x64xf32, #tpu.memory_space<hbm>>
      %dma_start3A_235 = tpu.memref_squeeze %dma_start3A_234 : memref<1x64xf32, #tpu.memory_space<hbm>> -> memref<64xf32, #tpu.memory_space<hbm>>
      tpu.enqueue_dma source(%dma_start3A_235 : memref<64xf32, #tpu.memory_space<hbm>>) target(%dma_start3A_232 : memref<64xf32, #tpu.memory_space<vmem>>) target_semaphore(%arg7 : memref<!tpu.dma_semaphore, #tpu.memory_space<semaphore_mem>>)
      %add3A_236 = arith.constant 4 : i32
      %add3A_237 = arith.addi %mul3A_24, %add3A_236 : i32
      %slice3A_238 = vector.extract_strided_slice %get3A_22 {offsets = [4], sizes = [1], strides = [1]} : vector<16xi32> to vector<1xi32>
      %squeeze3A_239 = vector.extract %slice3A_238[0] : i32 from vector<1xi32>
      %jit3A_240 = arith.constant 8 : i32
      %div3A_241 = arith.divsi %add3A_237, %jit3A_240 : i32
      %sign3A_242 = arith.constant 0 : i32
      %sign3A_243 = arith.cmpi sgt, %add3A_237, %sign3A_242 : i32
      %sign3A_244 = arith.extui %sign3A_243 : i1 to i32
      %sign3A_245 = arith.constant 0 : i32
      %sign3A_246 = arith.cmpi slt, %add3A_237, %sign3A_245 : i32
      %sign3A_247 = arith.extui %sign3A_246 : i1 to i32
      %sign3A_248 = arith.subi %sign3A_244, %sign3A_247 : i32
      %sign3A_249 = arith.constant 0 : i32
      %sign3A_250 = arith.cmpi sgt, %jit3A_240, %sign3A_249 : i32
      %sign3A_251 = arith.extui %sign3A_250 : i1 to i32
      %sign3A_252 = arith.constant 0 : i32
      %sign3A_253 = arith.cmpi slt, %jit3A_240, %sign3A_252 : i32
      %sign3A_254 = arith.extui %sign3A_253 : i1 to i32
      %sign3A_255 = arith.subi %sign3A_251, %sign3A_254 : i32
      %ne3A_256 = arith.cmpi ne, %sign3A_248, %sign3A_255 : i32
      %rem3A_257 = arith.remsi %add3A_237, %jit3A_240 : i32
      %ne3A_258 = arith.constant 0 : i32
      %ne3A_259 = arith.cmpi ne, %rem3A_257, %ne3A_258 : i32
      %and3A_260 = arith.andi %ne3A_256, %ne3A_259 : i1
      %sub3A_261 = arith.constant 1 : i32
      %sub3A_262 = arith.subi %div3A_241, %sub3A_261 : i32
      %select_n3A_263 = arith.select %and3A_260, %sub3A_262, %div3A_241 : i32
      %jit3A_264 = arith.constant 8 : i32
      %eq3A_265 = arith.constant 0 : i32
      %eq3A_266 = arith.cmpi eq, %jit3A_264, %eq3A_265 : i32
      %jit3A_267 = arith.constant 1 : i32
      %select_n3A_268 = arith.select %eq3A_266, %jit3A_267, %jit3A_264 : i32
      %rem3A_269 = arith.remsi %add3A_237, %select_n3A_268 : i32
      %ne3A_270 = arith.constant 0 : i32
      %ne3A_271 = arith.cmpi ne, %rem3A_269, %ne3A_270 : i32
      %lt3A_272 = arith.constant 0 : i32
      %lt3A_273 = arith.cmpi slt, %rem3A_269, %lt3A_272 : i32
      %lt3A_274 = arith.constant 0 : i32
      %lt3A_275 = arith.cmpi slt, %select_n3A_268, %lt3A_274 : i32
      %ne3A_276 = arith.xori %lt3A_273, %lt3A_275 : i1
      %and3A_277 = arith.andi %ne3A_276, %ne3A_271 : i1
      %add3A_278 = arith.addi %rem3A_269, %select_n3A_268 : i32
      %select_n3A_279 = arith.select %and3A_277, %add3A_278, %rem3A_269 : i32
      %dma_start3A_280 = arith.constant 0 : i32
      %dma_start3A_281 = tpu.memref_slice %arg6[%select_n3A_263, %select_n3A_279, %dma_start3A_280] : memref<34x8x64xf32, #tpu.memory_space<vmem>> -> memref<1x1x64xf32, #tpu.memory_space<vmem>>
      %dma_start3A_282 = tpu.memref_squeeze %dma_start3A_281 : memref<1x1x64xf32, #tpu.memory_space<vmem>> -> memref<64xf32, #tpu.memory_space<vmem>>
      %dma_start3A_283 = arith.constant 0 : i32
      %dma_start3A_284 = tpu.memref_slice %arg3[%squeeze3A_239, %dma_start3A_283] : memref<1000000x64xf32, #tpu.memory_space<hbm>> -> memref<1x64xf32, #tpu.memory_space<hbm>>
      %dma_start3A_285 = tpu.memref_squeeze %dma_start3A_284 : memref<1x64xf32, #tpu.memory_space<hbm>> -> memref<64xf32, #tpu.memory_space<hbm>>
      %dma_start3A_286 = arith.constant 0 : i32
      %dma_start3A_287 = tpu.memref_slice %arg6[%select_n3A_263, %select_n3A_279, %dma_start3A_286] : memref<34x8x64xf32, #tpu.memory_space<vmem>> -> memref<1x1x64xf32, #tpu.memory_space<vmem>>
      %dma_start3A_288 = tpu.memref_squeeze %dma_start3A_287 : memref<1x1x64xf32, #tpu.memory_space<vmem>> -> memref<64xf32, #tpu.memory_space<vmem>>
      %dma_start3A_289 = arith.constant 0 : i32
      %dma_start3A_290 = tpu.memref_slice %arg3[%squeeze3A_239, %dma_start3A_289] : memref<1000000x64xf32, #tpu.memory_space<hbm>> -> memref<1x64xf32, #tpu.memory_space<hbm>>
      %dma_start3A_291 = tpu.memref_squeeze %dma_start3A_290 : memref<1x64xf32, #tpu.memory_space<hbm>> -> memref<64xf32, #tpu.memory_space<hbm>>
      tpu.enqueue_dma source(%dma_start3A_291 : memref<64xf32, #tpu.memory_space<hbm>>) target(%dma_start3A_288 : memref<64xf32, #tpu.memory_space<vmem>>) target_semaphore(%arg7 : memref<!tpu.dma_semaphore, #tpu.memory_space<semaphore_mem>>)
      %add3A_292 = arith.constant 5 : i32
      %add3A_293 = arith.addi %mul3A_24, %add3A_292 : i32
      %slice3A_294 = vector.extract_strided_slice %get3A_22 {offsets = [5], sizes = [1], strides = [1]} : vector<16xi32> to vector<1xi32>
      %squeeze3A_295 = vector.extract %slice3A_294[0] : i32 from vector<1xi32>
      %jit3A_296 = arith.constant 8 : i32
      %div3A_297 = arith.divsi %add3A_293, %jit3A_296 : i32
      %sign3A_298 = arith.constant 0 : i32
      %sign3A_299 = arith.cmpi sgt, %add3A_293, %sign3A_298 : i32
      %sign3A_300 = arith.extui %sign3A_299 : i1 to i32
      %sign3A_301 = arith.constant 0 : i32
      %sign3A_302 = arith.cmpi slt, %add3A_293, %sign3A_301 : i32
      %sign3A_303 = arith.extui %sign3A_302 : i1 to i32
      %sign3A_304 = arith.subi %sign3A_300, %sign3A_303 : i32
      %sign3A_305 = arith.constant 0 : i32
      %sign3A_306 = arith.cmpi sgt, %jit3A_296, %sign3A_305 : i32
      %sign3A_307 = arith.extui %sign3A_306 : i1 to i32
      %sign3A_308 = arith.constant 0 : i32
      %sign3A_309 = arith.cmpi slt, %jit3A_296, %sign3A_308 : i32
      %sign3A_310 = arith.extui %sign3A_309 : i1 to i32
      %sign3A_311 = arith.subi %sign3A_307, %sign3A_310 : i32
      %ne3A_312 = arith.cmpi ne, %sign3A_304, %sign3A_311 : i32
      %rem3A_313 = arith.remsi %add3A_293, %jit3A_296 : i32
      %ne3A_314 = arith.constant 0 : i32
      %ne3A_315 = arith.cmpi ne, %rem3A_313, %ne3A_314 : i32
      %and3A_316 = arith.andi %ne3A_312, %ne3A_315 : i1
      %sub3A_317 = arith.constant 1 : i32
      %sub3A_318 = arith.subi %div3A_297, %sub3A_317 : i32
      %select_n3A_319 = arith.select %and3A_316, %sub3A_318, %div3A_297 : i32
      %jit3A_320 = arith.constant 8 : i32
      %eq3A_321 = arith.constant 0 : i32
      %eq3A_322 = arith.cmpi eq, %jit3A_320, %eq3A_321 : i32
      %jit3A_323 = arith.constant 1 : i32
      %select_n3A_324 = arith.select %eq3A_322, %jit3A_323, %jit3A_320 : i32
      %rem3A_325 = arith.remsi %add3A_293, %select_n3A_324 : i32
      %ne3A_326 = arith.constant 0 : i32
      %ne3A_327 = arith.cmpi ne, %rem3A_325, %ne3A_326 : i32
      %lt3A_328 = arith.constant 0 : i32
      %lt3A_329 = arith.cmpi slt, %rem3A_325, %lt3A_328 : i32
      %lt3A_330 = arith.constant 0 : i32
      %lt3A_331 = arith.cmpi slt, %select_n3A_324, %lt3A_330 : i32
      %ne3A_332 = arith.xori %lt3A_329, %lt3A_331 : i1
      %and3A_333 = arith.andi %ne3A_332, %ne3A_327 : i1
      %add3A_334 = arith.addi %rem3A_325, %select_n3A_324 : i32
      %select_n3A_335 = arith.select %and3A_333, %add3A_334, %rem3A_325 : i32
      %dma_start3A_336 = arith.constant 0 : i32
      %dma_start3A_337 = tpu.memref_slice %arg6[%select_n3A_319, %select_n3A_335, %dma_start3A_336] : memref<34x8x64xf32, #tpu.memory_space<vmem>> -> memref<1x1x64xf32, #tpu.memory_space<vmem>>
      %dma_start3A_338 = tpu.memref_squeeze %dma_start3A_337 : memref<1x1x64xf32, #tpu.memory_space<vmem>> -> memref<64xf32, #tpu.memory_space<vmem>>
      %dma_start3A_339 = arith.constant 0 : i32
      %dma_start3A_340 = tpu.memref_slice %arg3[%squeeze3A_295, %dma_start3A_339] : memref<1000000x64xf32, #tpu.memory_space<hbm>> -> memref<1x64xf32, #tpu.memory_space<hbm>>
      %dma_start3A_341 = tpu.memref_squeeze %dma_start3A_340 : memref<1x64xf32, #tpu.memory_space<hbm>> -> memref<64xf32, #tpu.memory_space<hbm>>
      %dma_start3A_342 = arith.constant 0 : i32
      %dma_start3A_343 = tpu.memref_slice %arg6[%select_n3A_319, %select_n3A_335, %dma_start3A_342] : memref<34x8x64xf32, #tpu.memory_space<vmem>> -> memref<1x1x64xf32, #tpu.memory_space<vmem>>
      %dma_start3A_344 = tpu.memref_squeeze %dma_start3A_343 : memref<1x1x64xf32, #tpu.memory_space<vmem>> -> memref<64xf32, #tpu.memory_space<vmem>>
      %dma_start3A_345 = arith.constant 0 : i32
      %dma_start3A_346 = tpu.memref_slice %arg3[%squeeze3A_295, %dma_start3A_345] : memref<1000000x64xf32, #tpu.memory_space<hbm>> -> memref<1x64xf32, #tpu.memory_space<hbm>>
      %dma_start3A_347 = tpu.memref_squeeze %dma_start3A_346 : memref<1x64xf32, #tpu.memory_space<hbm>> -> memref<64xf32, #tpu.memory_space<hbm>>
      tpu.enqueue_dma source(%dma_start3A_347 : memref<64xf32, #tpu.memory_space<hbm>>) target(%dma_start3A_344 : memref<64xf32, #tpu.memory_space<vmem>>) target_semaphore(%arg7 : memref<!tpu.dma_semaphore, #tpu.memory_space<semaphore_mem>>)
      %add3A_348 = arith.constant 6 : i32
      %add3A_349 = arith.addi %mul3A_24, %add3A_348 : i32
      %slice3A_350 = vector.extract_strided_slice %get3A_22 {offsets = [6], sizes = [1], strides = [1]} : vector<16xi32> to vector<1xi32>
      %squeeze3A_351 = vector.extract %slice3A_350[0] : i32 from vector<1xi32>
      %jit3A_352 = arith.constant 8 : i32
      %div3A_353 = arith.divsi %add3A_349, %jit3A_352 : i32
      %sign3A_354 = arith.constant 0 : i32
      %sign3A_355 = arith.cmpi sgt, %add3A_349, %sign3A_354 : i32
      %sign3A_356 = arith.extui %sign3A_355 : i1 to i32
      %sign3A_357 = arith.constant 0 : i32
      %sign3A_358 = arith.cmpi slt, %add3A_349, %sign3A_357 : i32
      %sign3A_359 = arith.extui %sign3A_358 : i1 to i32
      %sign3A_360 = arith.subi %sign3A_356, %sign3A_359 : i32
      %sign3A_361 = arith.constant 0 : i32
      %sign3A_362 = arith.cmpi sgt, %jit3A_352, %sign3A_361 : i32
      %sign3A_363 = arith.extui %sign3A_362 : i1 to i32
      %sign3A_364 = arith.constant 0 : i32
      %sign3A_365 = arith.cmpi slt, %jit3A_352, %sign3A_364 : i32
      %sign3A_366 = arith.extui %sign3A_365 : i1 to i32
      %sign3A_367 = arith.subi %sign3A_363, %sign3A_366 : i32
      %ne3A_368 = arith.cmpi ne, %sign3A_360, %sign3A_367 : i32
      %rem3A_369 = arith.remsi %add3A_349, %jit3A_352 : i32
      %ne3A_370 = arith.constant 0 : i32
      %ne3A_371 = arith.cmpi ne, %rem3A_369, %ne3A_370 : i32
      %and3A_372 = arith.andi %ne3A_368, %ne3A_371 : i1
      %sub3A_373 = arith.constant 1 : i32
      %sub3A_374 = arith.subi %div3A_353, %sub3A_373 : i32
      %select_n3A_375 = arith.select %and3A_372, %sub3A_374, %div3A_353 : i32
      %jit3A_376 = arith.constant 8 : i32
      %eq3A_377 = arith.constant 0 : i32
      %eq3A_378 = arith.cmpi eq, %jit3A_376, %eq3A_377 : i32
      %jit3A_379 = arith.constant 1 : i32
      %select_n3A_380 = arith.select %eq3A_378, %jit3A_379, %jit3A_376 : i32
      %rem3A_381 = arith.remsi %add3A_349, %select_n3A_380 : i32
      %ne3A_382 = arith.constant 0 : i32
      %ne3A_383 = arith.cmpi ne, %rem3A_381, %ne3A_382 : i32
      %lt3A_384 = arith.constant 0 : i32
      %lt3A_385 = arith.cmpi slt, %rem3A_381, %lt3A_384 : i32
      %lt3A_386 = arith.constant 0 : i32
      %lt3A_387 = arith.cmpi slt, %select_n3A_380, %lt3A_386 : i32
      %ne3A_388 = arith.xori %lt3A_385, %lt3A_387 : i1
      %and3A_389 = arith.andi %ne3A_388, %ne3A_383 : i1
      %add3A_390 = arith.addi %rem3A_381, %select_n3A_380 : i32
      %select_n3A_391 = arith.select %and3A_389, %add3A_390, %rem3A_381 : i32
      %dma_start3A_392 = arith.constant 0 : i32
      %dma_start3A_393 = tpu.memref_slice %arg6[%select_n3A_375, %select_n3A_391, %dma_start3A_392] : memref<34x8x64xf32, #tpu.memory_space<vmem>> -> memref<1x1x64xf32, #tpu.memory_space<vmem>>
      %dma_start3A_394 = tpu.memref_squeeze %dma_start3A_393 : memref<1x1x64xf32, #tpu.memory_space<vmem>> -> memref<64xf32, #tpu.memory_space<vmem>>
      %dma_start3A_395 = arith.constant 0 : i32
      %dma_start3A_396 = tpu.memref_slice %arg3[%squeeze3A_351, %dma_start3A_395] : memref<1000000x64xf32, #tpu.memory_space<hbm>> -> memref<1x64xf32, #tpu.memory_space<hbm>>
      %dma_start3A_397 = tpu.memref_squeeze %dma_start3A_396 : memref<1x64xf32, #tpu.memory_space<hbm>> -> memref<64xf32, #tpu.memory_space<hbm>>
      %dma_start3A_398 = arith.constant 0 : i32
      %dma_start3A_399 = tpu.memref_slice %arg6[%select_n3A_375, %select_n3A_391, %dma_start3A_398] : memref<34x8x64xf32, #tpu.memory_space<vmem>> -> memref<1x1x64xf32, #tpu.memory_space<vmem>>
      %dma_start3A_400 = tpu.memref_squeeze %dma_start3A_399 : memref<1x1x64xf32, #tpu.memory_space<vmem>> -> memref<64xf32, #tpu.memory_space<vmem>>
      %dma_start3A_401 = arith.constant 0 : i32
      %dma_start3A_402 = tpu.memref_slice %arg3[%squeeze3A_351, %dma_start3A_401] : memref<1000000x64xf32, #tpu.memory_space<hbm>> -> memref<1x64xf32, #tpu.memory_space<hbm>>
      %dma_start3A_403 = tpu.memref_squeeze %dma_start3A_402 : memref<1x64xf32, #tpu.memory_space<hbm>> -> memref<64xf32, #tpu.memory_space<hbm>>
      tpu.enqueue_dma source(%dma_start3A_403 : memref<64xf32, #tpu.memory_space<hbm>>) target(%dma_start3A_400 : memref<64xf32, #tpu.memory_space<vmem>>) target_semaphore(%arg7 : memref<!tpu.dma_semaphore, #tpu.memory_space<semaphore_mem>>)
      %add3A_404 = arith.constant 7 : i32
      %add3A_405 = arith.addi %mul3A_24, %add3A_404 : i32
      %slice3A_406 = vector.extract_strided_slice %get3A_22 {offsets = [7], sizes = [1], strides = [1]} : vector<16xi32> to vector<1xi32>
      %squeeze3A_407 = vector.extract %slice3A_406[0] : i32 from vector<1xi32>
      %jit3A_408 = arith.constant 8 : i32
      %div3A_409 = arith.divsi %add3A_405, %jit3A_408 : i32
      %sign3A_410 = arith.constant 0 : i32
      %sign3A_411 = arith.cmpi sgt, %add3A_405, %sign3A_410 : i32
      %sign3A_412 = arith.extui %sign3A_411 : i1 to i32
      %sign3A_413 = arith.constant 0 : i32
      %sign3A_414 = arith.cmpi slt, %add3A_405, %sign3A_413 : i32
      %sign3A_415 = arith.extui %sign3A_414 : i1 to i32
      %sign3A_416 = arith.subi %sign3A_412, %sign3A_415 : i32
      %sign3A_417 = arith.constant 0 : i32
      %sign3A_418 = arith.cmpi sgt, %jit3A_408, %sign3A_417 : i32
      %sign3A_419 = arith.extui %sign3A_418 : i1 to i32
      %sign3A_420 = arith.constant 0 : i32
      %sign3A_421 = arith.cmpi slt, %jit3A_408, %sign3A_420 : i32
      %sign3A_422 = arith.extui %sign3A_421 : i1 to i32
      %sign3A_423 = arith.subi %sign3A_419, %sign3A_422 : i32
      %ne3A_424 = arith.cmpi ne, %sign3A_416, %sign3A_423 : i32
      %rem3A_425 = arith.remsi %add3A_405, %jit3A_408 : i32
      %ne3A_426 = arith.constant 0 : i32
      %ne3A_427 = arith.cmpi ne, %rem3A_425, %ne3A_426 : i32
      %and3A_428 = arith.andi %ne3A_424, %ne3A_427 : i1
      %sub3A_429 = arith.constant 1 : i32
      %sub3A_430 = arith.subi %div3A_409, %sub3A_429 : i32
      %select_n3A_431 = arith.select %and3A_428, %sub3A_430, %div3A_409 : i32
      %jit3A_432 = arith.constant 8 : i32
      %eq3A_433 = arith.constant 0 : i32
      %eq3A_434 = arith.cmpi eq, %jit3A_432, %eq3A_433 : i32
      %jit3A_435 = arith.constant 1 : i32
      %select_n3A_436 = arith.select %eq3A_434, %jit3A_435, %jit3A_432 : i32
      %rem3A_437 = arith.remsi %add3A_405, %select_n3A_436 : i32
      %ne3A_438 = arith.constant 0 : i32
      %ne3A_439 = arith.cmpi ne, %rem3A_437, %ne3A_438 : i32
      %lt3A_440 = arith.constant 0 : i32
      %lt3A_441 = arith.cmpi slt, %rem3A_437, %lt3A_440 : i32
      %lt3A_442 = arith.constant 0 : i32
      %lt3A_443 = arith.cmpi slt, %select_n3A_436, %lt3A_442 : i32
      %ne3A_444 = arith.xori %lt3A_441, %lt3A_443 : i1
      %and3A_445 = arith.andi %ne3A_444, %ne3A_439 : i1
      %add3A_446 = arith.addi %rem3A_437, %select_n3A_436 : i32
      %select_n3A_447 = arith.select %and3A_445, %add3A_446, %rem3A_437 : i32
      %dma_start3A_448 = arith.constant 0 : i32
      %dma_start3A_449 = tpu.memref_slice %arg6[%select_n3A_431, %select_n3A_447, %dma_start3A_448] : memref<34x8x64xf32, #tpu.memory_space<vmem>> -> memref<1x1x64xf32, #tpu.memory_space<vmem>>
      %dma_start3A_450 = tpu.memref_squeeze %dma_start3A_449 : memref<1x1x64xf32, #tpu.memory_space<vmem>> -> memref<64xf32, #tpu.memory_space<vmem>>
      %dma_start3A_451 = arith.constant 0 : i32
      %dma_start3A_452 = tpu.memref_slice %arg3[%squeeze3A_407, %dma_start3A_451] : memref<1000000x64xf32, #tpu.memory_space<hbm>> -> memref<1x64xf32, #tpu.memory_space<hbm>>
      %dma_start3A_453 = tpu.memref_squeeze %dma_start3A_452 : memref<1x64xf32, #tpu.memory_space<hbm>> -> memref<64xf32, #tpu.memory_space<hbm>>
      %dma_start3A_454 = arith.constant 0 : i32
      %dma_start3A_455 = tpu.memref_slice %arg6[%select_n3A_431, %select_n3A_447, %dma_start3A_454] : memref<34x8x64xf32, #tpu.memory_space<vmem>> -> memref<1x1x64xf32, #tpu.memory_space<vmem>>
      %dma_start3A_456 = tpu.memref_squeeze %dma_start3A_455 : memref<1x1x64xf32, #tpu.memory_space<vmem>> -> memref<64xf32, #tpu.memory_space<vmem>>
      %dma_start3A_457 = arith.constant 0 : i32
      %dma_start3A_458 = tpu.memref_slice %arg3[%squeeze3A_407, %dma_start3A_457] : memref<1000000x64xf32, #tpu.memory_space<hbm>> -> memref<1x64xf32, #tpu.memory_space<hbm>>
      %dma_start3A_459 = tpu.memref_squeeze %dma_start3A_458 : memref<1x64xf32, #tpu.memory_space<hbm>> -> memref<64xf32, #tpu.memory_space<hbm>>
      tpu.enqueue_dma source(%dma_start3A_459 : memref<64xf32, #tpu.memory_space<hbm>>) target(%dma_start3A_456 : memref<64xf32, #tpu.memory_space<vmem>>) target_semaphore(%arg7 : memref<!tpu.dma_semaphore, #tpu.memory_space<semaphore_mem>>)
      %add3A_460 = arith.constant 8 : i32
      %add3A_461 = arith.addi %mul3A_24, %add3A_460 : i32
      %slice3A_462 = vector.extract_strided_slice %get3A_22 {offsets = [8], sizes = [1], strides = [1]} : vector<16xi32> to vector<1xi32>
      %squeeze3A_463 = vector.extract %slice3A_462[0] : i32 from vector<1xi32>
      %jit3A_464 = arith.constant 8 : i32
      %div3A_465 = arith.divsi %add3A_461, %jit3A_464 : i32
      %sign3A_466 = arith.constant 0 : i32
      %sign3A_467 = arith.cmpi sgt, %add3A_461, %sign3A_466 : i32
      %sign3A_468 = arith.extui %sign3A_467 : i1 to i32
      %sign3A_469 = arith.constant 0 : i32
      %sign3A_470 = arith.cmpi slt, %add3A_461, %sign3A_469 : i32
      %sign3A_471 = arith.extui %sign3A_470 : i1 to i32
      %sign3A_472 = arith.subi %sign3A_468, %sign3A_471 : i32
      %sign3A_473 = arith.constant 0 : i32
      %sign3A_474 = arith.cmpi sgt, %jit3A_464, %sign3A_473 : i32
      %sign3A_475 = arith.extui %sign3A_474 : i1 to i32
      %sign3A_476 = arith.constant 0 : i32
      %sign3A_477 = arith.cmpi slt, %jit3A_464, %sign3A_476 : i32
      %sign3A_478 = arith.extui %sign3A_477 : i1 to i32
      %sign3A_479 = arith.subi %sign3A_475, %sign3A_478 : i32
      %ne3A_480 = arith.cmpi ne, %sign3A_472, %sign3A_479 : i32
      %rem3A_481 = arith.remsi %add3A_461, %jit3A_464 : i32
      %ne3A_482 = arith.constant 0 : i32
      %ne3A_483 = arith.cmpi ne, %rem3A_481, %ne3A_482 : i32
      %and3A_484 = arith.andi %ne3A_480, %ne3A_483 : i1
      %sub3A_485 = arith.constant 1 : i32
      %sub3A_486 = arith.subi %div3A_465, %sub3A_485 : i32
      %select_n3A_487 = arith.select %and3A_484, %sub3A_486, %div3A_465 : i32
      %jit3A_488 = arith.constant 8 : i32
      %eq3A_489 = arith.constant 0 : i32
      %eq3A_490 = arith.cmpi eq, %jit3A_488, %eq3A_489 : i32
      %jit3A_491 = arith.constant 1 : i32
      %select_n3A_492 = arith.select %eq3A_490, %jit3A_491, %jit3A_488 : i32
      %rem3A_493 = arith.remsi %add3A_461, %select_n3A_492 : i32
      %ne3A_494 = arith.constant 0 : i32
      %ne3A_495 = arith.cmpi ne, %rem3A_493, %ne3A_494 : i32
      %lt3A_496 = arith.constant 0 : i32
      %lt3A_497 = arith.cmpi slt, %rem3A_493, %lt3A_496 : i32
      %lt3A_498 = arith.constant 0 : i32
      %lt3A_499 = arith.cmpi slt, %select_n3A_492, %lt3A_498 : i32
      %ne3A_500 = arith.xori %lt3A_497, %lt3A_499 : i1
      %and3A_501 = arith.andi %ne3A_500, %ne3A_495 : i1
      %add3A_502 = arith.addi %rem3A_493, %select_n3A_492 : i32
      %select_n3A_503 = arith.select %and3A_501, %add3A_502, %rem3A_493 : i32
      %dma_start3A_504 = arith.constant 0 : i32
      %dma_start3A_505 = tpu.memref_slice %arg6[%select_n3A_487, %select_n3A_503, %dma_start3A_504] : memref<34x8x64xf32, #tpu.memory_space<vmem>> -> memref<1x1x64xf32, #tpu.memory_space<vmem>>
      %dma_start3A_506 = tpu.memref_squeeze %dma_start3A_505 : memref<1x1x64xf32, #tpu.memory_space<vmem>> -> memref<64xf32, #tpu.memory_space<vmem>>
      %dma_start3A_507 = arith.constant 0 : i32
      %dma_start3A_508 = tpu.memref_slice %arg3[%squeeze3A_463, %dma_start3A_507] : memref<1000000x64xf32, #tpu.memory_space<hbm>> -> memref<1x64xf32, #tpu.memory_space<hbm>>
      %dma_start3A_509 = tpu.memref_squeeze %dma_start3A_508 : memref<1x64xf32, #tpu.memory_space<hbm>> -> memref<64xf32, #tpu.memory_space<hbm>>
      %dma_start3A_510 = arith.constant 0 : i32
      %dma_start3A_511 = tpu.memref_slice %arg6[%select_n3A_487, %select_n3A_503, %dma_start3A_510] : memref<34x8x64xf32, #tpu.memory_space<vmem>> -> memref<1x1x64xf32, #tpu.memory_space<vmem>>
      %dma_start3A_512 = tpu.memref_squeeze %dma_start3A_511 : memref<1x1x64xf32, #tpu.memory_space<vmem>> -> memref<64xf32, #tpu.memory_space<vmem>>
      %dma_start3A_513 = arith.constant 0 : i32
      %dma_start3A_514 = tpu.memref_slice %arg3[%squeeze3A_463, %dma_start3A_513] : memref<1000000x64xf32, #tpu.memory_space<hbm>> -> memref<1x64xf32, #tpu.memory_space<hbm>>
      %dma_start3A_515 = tpu.memref_squeeze %dma_start3A_514 : memref<1x64xf32, #tpu.memory_space<hbm>> -> memref<64xf32, #tpu.memory_space<hbm>>
      tpu.enqueue_dma source(%dma_start3A_515 : memref<64xf32, #tpu.memory_space<hbm>>) target(%dma_start3A_512 : memref<64xf32, #tpu.memory_space<vmem>>) target_semaphore(%arg7 : memref<!tpu.dma_semaphore, #tpu.memory_space<semaphore_mem>>)
      %add3A_516 = arith.constant 9 : i32
      %add3A_517 = arith.addi %mul3A_24, %add3A_516 : i32
      %slice3A_518 = vector.extract_strided_slice %get3A_22 {offsets = [9], sizes = [1], strides = [1]} : vector<16xi32> to vector<1xi32>
      %squeeze3A_519 = vector.extract %slice3A_518[0] : i32 from vector<1xi32>
      %jit3A_520 = arith.constant 8 : i32
      %div3A_521 = arith.divsi %add3A_517, %jit3A_520 : i32
      %sign3A_522 = arith.constant 0 : i32
      %sign3A_523 = arith.cmpi sgt, %add3A_517, %sign3A_522 : i32
      %sign3A_524 = arith.extui %sign3A_523 : i1 to i32
      %sign3A_525 = arith.constant 0 : i32
      %sign3A_526 = arith.cmpi slt, %add3A_517, %sign3A_525 : i32
      %sign3A_527 = arith.extui %sign3A_526 : i1 to i32
      %sign3A_528 = arith.subi %sign3A_524, %sign3A_527 : i32
      %sign3A_529 = arith.constant 0 : i32
      %sign3A_530 = arith.cmpi sgt, %jit3A_520, %sign3A_529 : i32
      %sign3A_531 = arith.extui %sign3A_530 : i1 to i32
      %sign3A_532 = arith.constant 0 : i32
      %sign3A_533 = arith.cmpi slt, %jit3A_520, %sign3A_532 : i32
      %sign3A_534 = arith.extui %sign3A_533 : i1 to i32
      %sign3A_535 = arith.subi %sign3A_531, %sign3A_534 : i32
      %ne3A_536 = arith.cmpi ne, %sign3A_528, %sign3A_535 : i32
      %rem3A_537 = arith.remsi %add3A_517, %jit3A_520 : i32
      %ne3A_538 = arith.constant 0 : i32
      %ne3A_539 = arith.cmpi ne, %rem3A_537, %ne3A_538 : i32
      %and3A_540 = arith.andi %ne3A_536, %ne3A_539 : i1
      %sub3A_541 = arith.constant 1 : i32
      %sub3A_542 = arith.subi %div3A_521, %sub3A_541 : i32
      %select_n3A_543 = arith.select %and3A_540, %sub3A_542, %div3A_521 : i32
      %jit3A_544 = arith.constant 8 : i32
      %eq3A_545 = arith.constant 0 : i32
      %eq3A_546 = arith.cmpi eq, %jit3A_544, %eq3A_545 : i32
      %jit3A_547 = arith.constant 1 : i32
      %select_n3A_548 = arith.select %eq3A_546, %jit3A_547, %jit3A_544 : i32
      %rem3A_549 = arith.remsi %add3A_517, %select_n3A_548 : i32
      %ne3A_550 = arith.constant 0 : i32
      %ne3A_551 = arith.cmpi ne, %rem3A_549, %ne3A_550 : i32
      %lt3A_552 = arith.constant 0 : i32
      %lt3A_553 = arith.cmpi slt, %rem3A_549, %lt3A_552 : i32
      %lt3A_554 = arith.constant 0 : i32
      %lt3A_555 = arith.cmpi slt, %select_n3A_548, %lt3A_554 : i32
      %ne3A_556 = arith.xori %lt3A_553, %lt3A_555 : i1
      %and3A_557 = arith.andi %ne3A_556, %ne3A_551 : i1
      %add3A_558 = arith.addi %rem3A_549, %select_n3A_548 : i32
      %select_n3A_559 = arith.select %and3A_557, %add3A_558, %rem3A_549 : i32
      %dma_start3A_560 = arith.constant 0 : i32
      %dma_start3A_561 = tpu.memref_slice %arg6[%select_n3A_543, %select_n3A_559, %dma_start3A_560] : memref<34x8x64xf32, #tpu.memory_space<vmem>> -> memref<1x1x64xf32, #tpu.memory_space<vmem>>
      %dma_start3A_562 = tpu.memref_squeeze %dma_start3A_561 : memref<1x1x64xf32, #tpu.memory_space<vmem>> -> memref<64xf32, #tpu.memory_space<vmem>>
      %dma_start3A_563 = arith.constant 0 : i32
      %dma_start3A_564 = tpu.memref_slice %arg3[%squeeze3A_519, %dma_start3A_563] : memref<1000000x64xf32, #tpu.memory_space<hbm>> -> memref<1x64xf32, #tpu.memory_space<hbm>>
      %dma_start3A_565 = tpu.memref_squeeze %dma_start3A_564 : memref<1x64xf32, #tpu.memory_space<hbm>> -> memref<64xf32, #tpu.memory_space<hbm>>
      %dma_start3A_566 = arith.constant 0 : i32
      %dma_start3A_567 = tpu.memref_slice %arg6[%select_n3A_543, %select_n3A_559, %dma_start3A_566] : memref<34x8x64xf32, #tpu.memory_space<vmem>> -> memref<1x1x64xf32, #tpu.memory_space<vmem>>
      %dma_start3A_568 = tpu.memref_squeeze %dma_start3A_567 : memref<1x1x64xf32, #tpu.memory_space<vmem>> -> memref<64xf32, #tpu.memory_space<vmem>>
      %dma_start3A_569 = arith.constant 0 : i32
      %dma_start3A_570 = tpu.memref_slice %arg3[%squeeze3A_519, %dma_start3A_569] : memref<1000000x64xf32, #tpu.memory_space<hbm>> -> memref<1x64xf32, #tpu.memory_space<hbm>>
      %dma_start3A_571 = tpu.memref_squeeze %dma_start3A_570 : memref<1x64xf32, #tpu.memory_space<hbm>> -> memref<64xf32, #tpu.memory_space<hbm>>
      tpu.enqueue_dma source(%dma_start3A_571 : memref<64xf32, #tpu.memory_space<hbm>>) target(%dma_start3A_568 : memref<64xf32, #tpu.memory_space<vmem>>) target_semaphore(%arg7 : memref<!tpu.dma_semaphore, #tpu.memory_space<semaphore_mem>>)
      %add3A_572 = arith.constant 10 : i32
      %add3A_573 = arith.addi %mul3A_24, %add3A_572 : i32
      %slice3A_574 = vector.extract_strided_slice %get3A_22 {offsets = [10], sizes = [1], strides = [1]} : vector<16xi32> to vector<1xi32>
      %squeeze3A_575 = vector.extract %slice3A_574[0] : i32 from vector<1xi32>
      %jit3A_576 = arith.constant 8 : i32
      %div3A_577 = arith.divsi %add3A_573, %jit3A_576 : i32
      %sign3A_578 = arith.constant 0 : i32
      %sign3A_579 = arith.cmpi sgt, %add3A_573, %sign3A_578 : i32
      %sign3A_580 = arith.extui %sign3A_579 : i1 to i32
      %sign3A_581 = arith.constant 0 : i32
      %sign3A_582 = arith.cmpi slt, %add3A_573, %sign3A_581 : i32
      %sign3A_583 = arith.extui %sign3A_582 : i1 to i32
      %sign3A_584 = arith.subi %sign3A_580, %sign3A_583 : i32
      %sign3A_585 = arith.constant 0 : i32
      %sign3A_586 = arith.cmpi sgt, %jit3A_576, %sign3A_585 : i32
      %sign3A_587 = arith.extui %sign3A_586 : i1 to i32
      %sign3A_588 = arith.constant 0 : i32
      %sign3A_589 = arith.cmpi slt, %jit3A_576, %sign3A_588 : i32
      %sign3A_590 = arith.extui %sign3A_589 : i1 to i32
      %sign3A_591 = arith.subi %sign3A_587, %sign3A_590 : i32
      %ne3A_592 = arith.cmpi ne, %sign3A_584, %sign3A_591 : i32
      %rem3A_593 = arith.remsi %add3A_573, %jit3A_576 : i32
      %ne3A_594 = arith.constant 0 : i32
      %ne3A_595 = arith.cmpi ne, %rem3A_593, %ne3A_594 : i32
      %and3A_596 = arith.andi %ne3A_592, %ne3A_595 : i1
      %sub3A_597 = arith.constant 1 : i32
      %sub3A_598 = arith.subi %div3A_577, %sub3A_597 : i32
      %select_n3A_599 = arith.select %and3A_596, %sub3A_598, %div3A_577 : i32
      %jit3A_600 = arith.constant 8 : i32
      %eq3A_601 = arith.constant 0 : i32
      %eq3A_602 = arith.cmpi eq, %jit3A_600, %eq3A_601 : i32
      %jit3A_603 = arith.constant 1 : i32
      %select_n3A_604 = arith.select %eq3A_602, %jit3A_603, %jit3A_600 : i32
      %rem3A_605 = arith.remsi %add3A_573, %select_n3A_604 : i32
      %ne3A_606 = arith.constant 0 : i32
      %ne3A_607 = arith.cmpi ne, %rem3A_605, %ne3A_606 : i32
      %lt3A_608 = arith.constant 0 : i32
      %lt3A_609 = arith.cmpi slt, %rem3A_605, %lt3A_608 : i32
      %lt3A_610 = arith.constant 0 : i32
      %lt3A_611 = arith.cmpi slt, %select_n3A_604, %lt3A_610 : i32
      %ne3A_612 = arith.xori %lt3A_609, %lt3A_611 : i1
      %and3A_613 = arith.andi %ne3A_612, %ne3A_607 : i1
      %add3A_614 = arith.addi %rem3A_605, %select_n3A_604 : i32
      %select_n3A_615 = arith.select %and3A_613, %add3A_614, %rem3A_605 : i32
      %dma_start3A_616 = arith.constant 0 : i32
      %dma_start3A_617 = tpu.memref_slice %arg6[%select_n3A_599, %select_n3A_615, %dma_start3A_616] : memref<34x8x64xf32, #tpu.memory_space<vmem>> -> memref<1x1x64xf32, #tpu.memory_space<vmem>>
      %dma_start3A_618 = tpu.memref_squeeze %dma_start3A_617 : memref<1x1x64xf32, #tpu.memory_space<vmem>> -> memref<64xf32, #tpu.memory_space<vmem>>
      %dma_start3A_619 = arith.constant 0 : i32
      %dma_start3A_620 = tpu.memref_slice %arg3[%squeeze3A_575, %dma_start3A_619] : memref<1000000x64xf32, #tpu.memory_space<hbm>> -> memref<1x64xf32, #tpu.memory_space<hbm>>
      %dma_start3A_621 = tpu.memref_squeeze %dma_start3A_620 : memref<1x64xf32, #tpu.memory_space<hbm>> -> memref<64xf32, #tpu.memory_space<hbm>>
      %dma_start3A_622 = arith.constant 0 : i32
      %dma_start3A_623 = tpu.memref_slice %arg6[%select_n3A_599, %select_n3A_615, %dma_start3A_622] : memref<34x8x64xf32, #tpu.memory_space<vmem>> -> memref<1x1x64xf32, #tpu.memory_space<vmem>>
      %dma_start3A_624 = tpu.memref_squeeze %dma_start3A_623 : memref<1x1x64xf32, #tpu.memory_space<vmem>> -> memref<64xf32, #tpu.memory_space<vmem>>
      %dma_start3A_625 = arith.constant 0 : i32
      %dma_start3A_626 = tpu.memref_slice %arg3[%squeeze3A_575, %dma_start3A_625] : memref<1000000x64xf32, #tpu.memory_space<hbm>> -> memref<1x64xf32, #tpu.memory_space<hbm>>
      %dma_start3A_627 = tpu.memref_squeeze %dma_start3A_626 : memref<1x64xf32, #tpu.memory_space<hbm>> -> memref<64xf32, #tpu.memory_space<hbm>>
      tpu.enqueue_dma source(%dma_start3A_627 : memref<64xf32, #tpu.memory_space<hbm>>) target(%dma_start3A_624 : memref<64xf32, #tpu.memory_space<vmem>>) target_semaphore(%arg7 : memref<!tpu.dma_semaphore, #tpu.memory_space<semaphore_mem>>)
      %add3A_628 = arith.constant 11 : i32
      %add3A_629 = arith.addi %mul3A_24, %add3A_628 : i32
      %slice3A_630 = vector.extract_strided_slice %get3A_22 {offsets = [11], sizes = [1], strides = [1]} : vector<16xi32> to vector<1xi32>
      %squeeze3A_631 = vector.extract %slice3A_630[0] : i32 from vector<1xi32>
      %jit3A_632 = arith.constant 8 : i32
      %div3A_633 = arith.divsi %add3A_629, %jit3A_632 : i32
      %sign3A_634 = arith.constant 0 : i32
      %sign3A_635 = arith.cmpi sgt, %add3A_629, %sign3A_634 : i32
      %sign3A_636 = arith.extui %sign3A_635 : i1 to i32
      %sign3A_637 = arith.constant 0 : i32
      %sign3A_638 = arith.cmpi slt, %add3A_629, %sign3A_637 : i32
      %sign3A_639 = arith.extui %sign3A_638 : i1 to i32
      %sign3A_640 = arith.subi %sign3A_636, %sign3A_639 : i32
      %sign3A_641 = arith.constant 0 : i32
      %sign3A_642 = arith.cmpi sgt, %jit3A_632, %sign3A_641 : i32
      %sign3A_643 = arith.extui %sign3A_642 : i1 to i32
      %sign3A_644 = arith.constant 0 : i32
      %sign3A_645 = arith.cmpi slt, %jit3A_632, %sign3A_644 : i32
      %sign3A_646 = arith.extui %sign3A_645 : i1 to i32
      %sign3A_647 = arith.subi %sign3A_643, %sign3A_646 : i32
      %ne3A_648 = arith.cmpi ne, %sign3A_640, %sign3A_647 : i32
      %rem3A_649 = arith.remsi %add3A_629, %jit3A_632 : i32
      %ne3A_650 = arith.constant 0 : i32
      %ne3A_651 = arith.cmpi ne, %rem3A_649, %ne3A_650 : i32
      %and3A_652 = arith.andi %ne3A_648, %ne3A_651 : i1
      %sub3A_653 = arith.constant 1 : i32
      %sub3A_654 = arith.subi %div3A_633, %sub3A_653 : i32
      %select_n3A_655 = arith.select %and3A_652, %sub3A_654, %div3A_633 : i32
      %jit3A_656 = arith.constant 8 : i32
      %eq3A_657 = arith.constant 0 : i32
      %eq3A_658 = arith.cmpi eq, %jit3A_656, %eq3A_657 : i32
      %jit3A_659 = arith.constant 1 : i32
      %select_n3A_660 = arith.select %eq3A_658, %jit3A_659, %jit3A_656 : i32
      %rem3A_661 = arith.remsi %add3A_629, %select_n3A_660 : i32
      %ne3A_662 = arith.constant 0 : i32
      %ne3A_663 = arith.cmpi ne, %rem3A_661, %ne3A_662 : i32
      %lt3A_664 = arith.constant 0 : i32
      %lt3A_665 = arith.cmpi slt, %rem3A_661, %lt3A_664 : i32
      %lt3A_666 = arith.constant 0 : i32
      %lt3A_667 = arith.cmpi slt, %select_n3A_660, %lt3A_666 : i32
      %ne3A_668 = arith.xori %lt3A_665, %lt3A_667 : i1
      %and3A_669 = arith.andi %ne3A_668, %ne3A_663 : i1
      %add3A_670 = arith.addi %rem3A_661, %select_n3A_660 : i32
      %select_n3A_671 = arith.select %and3A_669, %add3A_670, %rem3A_661 : i32
      %dma_start3A_672 = arith.constant 0 : i32
      %dma_start3A_673 = tpu.memref_slice %arg6[%select_n3A_655, %select_n3A_671, %dma_start3A_672] : memref<34x8x64xf32, #tpu.memory_space<vmem>> -> memref<1x1x64xf32, #tpu.memory_space<vmem>>
      %dma_start3A_674 = tpu.memref_squeeze %dma_start3A_673 : memref<1x1x64xf32, #tpu.memory_space<vmem>> -> memref<64xf32, #tpu.memory_space<vmem>>
      %dma_start3A_675 = arith.constant 0 : i32
      %dma_start3A_676 = tpu.memref_slice %arg3[%squeeze3A_631, %dma_start3A_675] : memref<1000000x64xf32, #tpu.memory_space<hbm>> -> memref<1x64xf32, #tpu.memory_space<hbm>>
      %dma_start3A_677 = tpu.memref_squeeze %dma_start3A_676 : memref<1x64xf32, #tpu.memory_space<hbm>> -> memref<64xf32, #tpu.memory_space<hbm>>
      %dma_start3A_678 = arith.constant 0 : i32
      %dma_start3A_679 = tpu.memref_slice %arg6[%select_n3A_655, %select_n3A_671, %dma_start3A_678] : memref<34x8x64xf32, #tpu.memory_space<vmem>> -> memref<1x1x64xf32, #tpu.memory_space<vmem>>
      %dma_start3A_680 = tpu.memref_squeeze %dma_start3A_679 : memref<1x1x64xf32, #tpu.memory_space<vmem>> -> memref<64xf32, #tpu.memory_space<vmem>>
      %dma_start3A_681 = arith.constant 0 : i32
      %dma_start3A_682 = tpu.memref_slice %arg3[%squeeze3A_631, %dma_start3A_681] : memref<1000000x64xf32, #tpu.memory_space<hbm>> -> memref<1x64xf32, #tpu.memory_space<hbm>>
      %dma_start3A_683 = tpu.memref_squeeze %dma_start3A_682 : memref<1x64xf32, #tpu.memory_space<hbm>> -> memref<64xf32, #tpu.memory_space<hbm>>
      tpu.enqueue_dma source(%dma_start3A_683 : memref<64xf32, #tpu.memory_space<hbm>>) target(%dma_start3A_680 : memref<64xf32, #tpu.memory_space<vmem>>) target_semaphore(%arg7 : memref<!tpu.dma_semaphore, #tpu.memory_space<semaphore_mem>>)
      %add3A_684 = arith.constant 12 : i32
      %add3A_685 = arith.addi %mul3A_24, %add3A_684 : i32
      %slice3A_686 = vector.extract_strided_slice %get3A_22 {offsets = [12], sizes = [1], strides = [1]} : vector<16xi32> to vector<1xi32>
      %squeeze3A_687 = vector.extract %slice3A_686[0] : i32 from vector<1xi32>
      %jit3A_688 = arith.constant 8 : i32
      %div3A_689 = arith.divsi %add3A_685, %jit3A_688 : i32
      %sign3A_690 = arith.constant 0 : i32
      %sign3A_691 = arith.cmpi sgt, %add3A_685, %sign3A_690 : i32
      %sign3A_692 = arith.extui %sign3A_691 : i1 to i32
      %sign3A_693 = arith.constant 0 : i32
      %sign3A_694 = arith.cmpi slt, %add3A_685, %sign3A_693 : i32
      %sign3A_695 = arith.extui %sign3A_694 : i1 to i32
      %sign3A_696 = arith.subi %sign3A_692, %sign3A_695 : i32
      %sign3A_697 = arith.constant 0 : i32
      %sign3A_698 = arith.cmpi sgt, %jit3A_688, %sign3A_697 : i32
      %sign3A_699 = arith.extui %sign3A_698 : i1 to i32
      %sign3A_700 = arith.constant 0 : i32
      %sign3A_701 = arith.cmpi slt, %jit3A_688, %sign3A_700 : i32
      %sign3A_702 = arith.extui %sign3A_701 : i1 to i32
      %sign3A_703 = arith.subi %sign3A_699, %sign3A_702 : i32
      %ne3A_704 = arith.cmpi ne, %sign3A_696, %sign3A_703 : i32
      %rem3A_705 = arith.remsi %add3A_685, %jit3A_688 : i32
      %ne3A_706 = arith.constant 0 : i32
      %ne3A_707 = arith.cmpi ne, %rem3A_705, %ne3A_706 : i32
      %and3A_708 = arith.andi %ne3A_704, %ne3A_707 : i1
      %sub3A_709 = arith.constant 1 : i32
      %sub3A_710 = arith.subi %div3A_689, %sub3A_709 : i32
      %select_n3A_711 = arith.select %and3A_708, %sub3A_710, %div3A_689 : i32
      %jit3A_712 = arith.constant 8 : i32
      %eq3A_713 = arith.constant 0 : i32
      %eq3A_714 = arith.cmpi eq, %jit3A_712, %eq3A_713 : i32
      %jit3A_715 = arith.constant 1 : i32
      %select_n3A_716 = arith.select %eq3A_714, %jit3A_715, %jit3A_712 : i32
      %rem3A_717 = arith.remsi %add3A_685, %select_n3A_716 : i32
      %ne3A_718 = arith.constant 0 : i32
      %ne3A_719 = arith.cmpi ne, %rem3A_717, %ne3A_718 : i32
      %lt3A_720 = arith.constant 0 : i32
      %lt3A_721 = arith.cmpi slt, %rem3A_717, %lt3A_720 : i32
      %lt3A_722 = arith.constant 0 : i32
      %lt3A_723 = arith.cmpi slt, %select_n3A_716, %lt3A_722 : i32
      %ne3A_724 = arith.xori %lt3A_721, %lt3A_723 : i1
      %and3A_725 = arith.andi %ne3A_724, %ne3A_719 : i1
      %add3A_726 = arith.addi %rem3A_717, %select_n3A_716 : i32
      %select_n3A_727 = arith.select %and3A_725, %add3A_726, %rem3A_717 : i32
      %dma_start3A_728 = arith.constant 0 : i32
      %dma_start3A_729 = tpu.memref_slice %arg6[%select_n3A_711, %select_n3A_727, %dma_start3A_728] : memref<34x8x64xf32, #tpu.memory_space<vmem>> -> memref<1x1x64xf32, #tpu.memory_space<vmem>>
      %dma_start3A_730 = tpu.memref_squeeze %dma_start3A_729 : memref<1x1x64xf32, #tpu.memory_space<vmem>> -> memref<64xf32, #tpu.memory_space<vmem>>
      %dma_start3A_731 = arith.constant 0 : i32
      %dma_start3A_732 = tpu.memref_slice %arg3[%squeeze3A_687, %dma_start3A_731] : memref<1000000x64xf32, #tpu.memory_space<hbm>> -> memref<1x64xf32, #tpu.memory_space<hbm>>
      %dma_start3A_733 = tpu.memref_squeeze %dma_start3A_732 : memref<1x64xf32, #tpu.memory_space<hbm>> -> memref<64xf32, #tpu.memory_space<hbm>>
      %dma_start3A_734 = arith.constant 0 : i32
      %dma_start3A_735 = tpu.memref_slice %arg6[%select_n3A_711, %select_n3A_727, %dma_start3A_734] : memref<34x8x64xf32, #tpu.memory_space<vmem>> -> memref<1x1x64xf32, #tpu.memory_space<vmem>>
      %dma_start3A_736 = tpu.memref_squeeze %dma_start3A_735 : memref<1x1x64xf32, #tpu.memory_space<vmem>> -> memref<64xf32, #tpu.memory_space<vmem>>
      %dma_start3A_737 = arith.constant 0 : i32
      %dma_start3A_738 = tpu.memref_slice %arg3[%squeeze3A_687, %dma_start3A_737] : memref<1000000x64xf32, #tpu.memory_space<hbm>> -> memref<1x64xf32, #tpu.memory_space<hbm>>
      %dma_start3A_739 = tpu.memref_squeeze %dma_start3A_738 : memref<1x64xf32, #tpu.memory_space<hbm>> -> memref<64xf32, #tpu.memory_space<hbm>>
      tpu.enqueue_dma source(%dma_start3A_739 : memref<64xf32, #tpu.memory_space<hbm>>) target(%dma_start3A_736 : memref<64xf32, #tpu.memory_space<vmem>>) target_semaphore(%arg7 : memref<!tpu.dma_semaphore, #tpu.memory_space<semaphore_mem>>)
      %add3A_740 = arith.constant 13 : i32
      %add3A_741 = arith.addi %mul3A_24, %add3A_740 : i32
      %slice3A_742 = vector.extract_strided_slice %get3A_22 {offsets = [13], sizes = [1], strides = [1]} : vector<16xi32> to vector<1xi32>
      %squeeze3A_743 = vector.extract %slice3A_742[0] : i32 from vector<1xi32>
      %jit3A_744 = arith.constant 8 : i32
      %div3A_745 = arith.divsi %add3A_741, %jit3A_744 : i32
      %sign3A_746 = arith.constant 0 : i32
      %sign3A_747 = arith.cmpi sgt, %add3A_741, %sign3A_746 : i32
      %sign3A_748 = arith.extui %sign3A_747 : i1 to i32
      %sign3A_749 = arith.constant 0 : i32
      %sign3A_750 = arith.cmpi slt, %add3A_741, %sign3A_749 : i32
      %sign3A_751 = arith.extui %sign3A_750 : i1 to i32
      %sign3A_752 = arith.subi %sign3A_748, %sign3A_751 : i32
      %sign3A_753 = arith.constant 0 : i32
      %sign3A_754 = arith.cmpi sgt, %jit3A_744, %sign3A_753 : i32
      %sign3A_755 = arith.extui %sign3A_754 : i1 to i32
      %sign3A_756 = arith.constant 0 : i32
      %sign3A_757 = arith.cmpi slt, %jit3A_744, %sign3A_756 : i32
      %sign3A_758 = arith.extui %sign3A_757 : i1 to i32
      %sign3A_759 = arith.subi %sign3A_755, %sign3A_758 : i32
      %ne3A_760 = arith.cmpi ne, %sign3A_752, %sign3A_759 : i32
      %rem3A_761 = arith.remsi %add3A_741, %jit3A_744 : i32
      %ne3A_762 = arith.constant 0 : i32
      %ne3A_763 = arith.cmpi ne, %rem3A_761, %ne3A_762 : i32
      %and3A_764 = arith.andi %ne3A_760, %ne3A_763 : i1
      %sub3A_765 = arith.constant 1 : i32
      %sub3A_766 = arith.subi %div3A_745, %sub3A_765 : i32
      %select_n3A_767 = arith.select %and3A_764, %sub3A_766, %div3A_745 : i32
      %jit3A_768 = arith.constant 8 : i32
      %eq3A_769 = arith.constant 0 : i32
      %eq3A_770 = arith.cmpi eq, %jit3A_768, %eq3A_769 : i32
      %jit3A_771 = arith.constant 1 : i32
      %select_n3A_772 = arith.select %eq3A_770, %jit3A_771, %jit3A_768 : i32
      %rem3A_773 = arith.remsi %add3A_741, %select_n3A_772 : i32
      %ne3A_774 = arith.constant 0 : i32
      %ne3A_775 = arith.cmpi ne, %rem3A_773, %ne3A_774 : i32
      %lt3A_776 = arith.constant 0 : i32
      %lt3A_777 = arith.cmpi slt, %rem3A_773, %lt3A_776 : i32
      %lt3A_778 = arith.constant 0 : i32
      %lt3A_779 = arith.cmpi slt, %select_n3A_772, %lt3A_778 : i32
      %ne3A_780 = arith.xori %lt3A_777, %lt3A_779 : i1
      %and3A_781 = arith.andi %ne3A_780, %ne3A_775 : i1
      %add3A_782 = arith.addi %rem3A_773, %select_n3A_772 : i32
      %select_n3A_783 = arith.select %and3A_781, %add3A_782, %rem3A_773 : i32
      %dma_start3A_784 = arith.constant 0 : i32
      %dma_start3A_785 = tpu.memref_slice %arg6[%select_n3A_767, %select_n3A_783, %dma_start3A_784] : memref<34x8x64xf32, #tpu.memory_space<vmem>> -> memref<1x1x64xf32, #tpu.memory_space<vmem>>
      %dma_start3A_786 = tpu.memref_squeeze %dma_start3A_785 : memref<1x1x64xf32, #tpu.memory_space<vmem>> -> memref<64xf32, #tpu.memory_space<vmem>>
      %dma_start3A_787 = arith.constant 0 : i32
      %dma_start3A_788 = tpu.memref_slice %arg3[%squeeze3A_743, %dma_start3A_787] : memref<1000000x64xf32, #tpu.memory_space<hbm>> -> memref<1x64xf32, #tpu.memory_space<hbm>>
      %dma_start3A_789 = tpu.memref_squeeze %dma_start3A_788 : memref<1x64xf32, #tpu.memory_space<hbm>> -> memref<64xf32, #tpu.memory_space<hbm>>
      %dma_start3A_790 = arith.constant 0 : i32
      %dma_start3A_791 = tpu.memref_slice %arg6[%select_n3A_767, %select_n3A_783, %dma_start3A_790] : memref<34x8x64xf32, #tpu.memory_space<vmem>> -> memref<1x1x64xf32, #tpu.memory_space<vmem>>
      %dma_start3A_792 = tpu.memref_squeeze %dma_start3A_791 : memref<1x1x64xf32, #tpu.memory_space<vmem>> -> memref<64xf32, #tpu.memory_space<vmem>>
      %dma_start3A_793 = arith.constant 0 : i32
      %dma_start3A_794 = tpu.memref_slice %arg3[%squeeze3A_743, %dma_start3A_793] : memref<1000000x64xf32, #tpu.memory_space<hbm>> -> memref<1x64xf32, #tpu.memory_space<hbm>>
      %dma_start3A_795 = tpu.memref_squeeze %dma_start3A_794 : memref<1x64xf32, #tpu.memory_space<hbm>> -> memref<64xf32, #tpu.memory_space<hbm>>
      tpu.enqueue_dma source(%dma_start3A_795 : memref<64xf32, #tpu.memory_space<hbm>>) target(%dma_start3A_792 : memref<64xf32, #tpu.memory_space<vmem>>) target_semaphore(%arg7 : memref<!tpu.dma_semaphore, #tpu.memory_space<semaphore_mem>>)
      %add3A_796 = arith.constant 14 : i32
      %add3A_797 = arith.addi %mul3A_24, %add3A_796 : i32
      %slice3A_798 = vector.extract_strided_slice %get3A_22 {offsets = [14], sizes = [1], strides = [1]} : vector<16xi32> to vector<1xi32>
      %squeeze3A_799 = vector.extract %slice3A_798[0] : i32 from vector<1xi32>
      %jit3A_800 = arith.constant 8 : i32
      %div3A_801 = arith.divsi %add3A_797, %jit3A_800 : i32
      %sign3A_802 = arith.constant 0 : i32
      %sign3A_803 = arith.cmpi sgt, %add3A_797, %sign3A_802 : i32
      %sign3A_804 = arith.extui %sign3A_803 : i1 to i32
      %sign3A_805 = arith.constant 0 : i32
      %sign3A_806 = arith.cmpi slt, %add3A_797, %sign3A_805 : i32
      %sign3A_807 = arith.extui %sign3A_806 : i1 to i32
      %sign3A_808 = arith.subi %sign3A_804, %sign3A_807 : i32
      %sign3A_809 = arith.constant 0 : i32
      %sign3A_810 = arith.cmpi sgt, %jit3A_800, %sign3A_809 : i32
      %sign3A_811 = arith.extui %sign3A_810 : i1 to i32
      %sign3A_812 = arith.constant 0 : i32
      %sign3A_813 = arith.cmpi slt, %jit3A_800, %sign3A_812 : i32
      %sign3A_814 = arith.extui %sign3A_813 : i1 to i32
      %sign3A_815 = arith.subi %sign3A_811, %sign3A_814 : i32
      %ne3A_816 = arith.cmpi ne, %sign3A_808, %sign3A_815 : i32
      %rem3A_817 = arith.remsi %add3A_797, %jit3A_800 : i32
      %ne3A_818 = arith.constant 0 : i32
      %ne3A_819 = arith.cmpi ne, %rem3A_817, %ne3A_818 : i32
      %and3A_820 = arith.andi %ne3A_816, %ne3A_819 : i1
      %sub3A_821 = arith.constant 1 : i32
      %sub3A_822 = arith.subi %div3A_801, %sub3A_821 : i32
      %select_n3A_823 = arith.select %and3A_820, %sub3A_822, %div3A_801 : i32
      %jit3A_824 = arith.constant 8 : i32
      %eq3A_825 = arith.constant 0 : i32
      %eq3A_826 = arith.cmpi eq, %jit3A_824, %eq3A_825 : i32
      %jit3A_827 = arith.constant 1 : i32
      %select_n3A_828 = arith.select %eq3A_826, %jit3A_827, %jit3A_824 : i32
      %rem3A_829 = arith.remsi %add3A_797, %select_n3A_828 : i32
      %ne3A_830 = arith.constant 0 : i32
      %ne3A_831 = arith.cmpi ne, %rem3A_829, %ne3A_830 : i32
      %lt3A_832 = arith.constant 0 : i32
      %lt3A_833 = arith.cmpi slt, %rem3A_829, %lt3A_832 : i32
      %lt3A_834 = arith.constant 0 : i32
      %lt3A_835 = arith.cmpi slt, %select_n3A_828, %lt3A_834 : i32
      %ne3A_836 = arith.xori %lt3A_833, %lt3A_835 : i1
      %and3A_837 = arith.andi %ne3A_836, %ne3A_831 : i1
      %add3A_838 = arith.addi %rem3A_829, %select_n3A_828 : i32
      %select_n3A_839 = arith.select %and3A_837, %add3A_838, %rem3A_829 : i32
      %dma_start3A_840 = arith.constant 0 : i32
      %dma_start3A_841 = tpu.memref_slice %arg6[%select_n3A_823, %select_n3A_839, %dma_start3A_840] : memref<34x8x64xf32, #tpu.memory_space<vmem>> -> memref<1x1x64xf32, #tpu.memory_space<vmem>>
      %dma_start3A_842 = tpu.memref_squeeze %dma_start3A_841 : memref<1x1x64xf32, #tpu.memory_space<vmem>> -> memref<64xf32, #tpu.memory_space<vmem>>
      %dma_start3A_843 = arith.constant 0 : i32
      %dma_start3A_844 = tpu.memref_slice %arg3[%squeeze3A_799, %dma_start3A_843] : memref<1000000x64xf32, #tpu.memory_space<hbm>> -> memref<1x64xf32, #tpu.memory_space<hbm>>
      %dma_start3A_845 = tpu.memref_squeeze %dma_start3A_844 : memref<1x64xf32, #tpu.memory_space<hbm>> -> memref<64xf32, #tpu.memory_space<hbm>>
      %dma_start3A_846 = arith.constant 0 : i32
      %dma_start3A_847 = tpu.memref_slice %arg6[%select_n3A_823, %select_n3A_839, %dma_start3A_846] : memref<34x8x64xf32, #tpu.memory_space<vmem>> -> memref<1x1x64xf32, #tpu.memory_space<vmem>>
      %dma_start3A_848 = tpu.memref_squeeze %dma_start3A_847 : memref<1x1x64xf32, #tpu.memory_space<vmem>> -> memref<64xf32, #tpu.memory_space<vmem>>
      %dma_start3A_849 = arith.constant 0 : i32
      %dma_start3A_850 = tpu.memref_slice %arg3[%squeeze3A_799, %dma_start3A_849] : memref<1000000x64xf32, #tpu.memory_space<hbm>> -> memref<1x64xf32, #tpu.memory_space<hbm>>
      %dma_start3A_851 = tpu.memref_squeeze %dma_start3A_850 : memref<1x64xf32, #tpu.memory_space<hbm>> -> memref<64xf32, #tpu.memory_space<hbm>>
      tpu.enqueue_dma source(%dma_start3A_851 : memref<64xf32, #tpu.memory_space<hbm>>) target(%dma_start3A_848 : memref<64xf32, #tpu.memory_space<vmem>>) target_semaphore(%arg7 : memref<!tpu.dma_semaphore, #tpu.memory_space<semaphore_mem>>)
      %add3A_852 = arith.constant 15 : i32
      %add3A_853 = arith.addi %mul3A_24, %add3A_852 : i32
      %slice3A_854 = vector.extract_strided_slice %get3A_22 {offsets = [15], sizes = [1], strides = [1]} : vector<16xi32> to vector<1xi32>
      %squeeze3A_855 = vector.extract %slice3A_854[0] : i32 from vector<1xi32>
      %jit3A_856 = arith.constant 8 : i32
      %div3A_857 = arith.divsi %add3A_853, %jit3A_856 : i32
      %sign3A_858 = arith.constant 0 : i32
      %sign3A_859 = arith.cmpi sgt, %add3A_853, %sign3A_858 : i32
      %sign3A_860 = arith.extui %sign3A_859 : i1 to i32
      %sign3A_861 = arith.constant 0 : i32
      %sign3A_862 = arith.cmpi slt, %add3A_853, %sign3A_861 : i32
      %sign3A_863 = arith.extui %sign3A_862 : i1 to i32
      %sign3A_864 = arith.subi %sign3A_860, %sign3A_863 : i32
      %sign3A_865 = arith.constant 0 : i32
      %sign3A_866 = arith.cmpi sgt, %jit3A_856, %sign3A_865 : i32
      %sign3A_867 = arith.extui %sign3A_866 : i1 to i32
      %sign3A_868 = arith.constant 0 : i32
      %sign3A_869 = arith.cmpi slt, %jit3A_856, %sign3A_868 : i32
      %sign3A_870 = arith.extui %sign3A_869 : i1 to i32
      %sign3A_871 = arith.subi %sign3A_867, %sign3A_870 : i32
      %ne3A_872 = arith.cmpi ne, %sign3A_864, %sign3A_871 : i32
      %rem3A_873 = arith.remsi %add3A_853, %jit3A_856 : i32
      %ne3A_874 = arith.constant 0 : i32
      %ne3A_875 = arith.cmpi ne, %rem3A_873, %ne3A_874 : i32
      %and3A_876 = arith.andi %ne3A_872, %ne3A_875 : i1
      %sub3A_877 = arith.constant 1 : i32
      %sub3A_878 = arith.subi %div3A_857, %sub3A_877 : i32
      %select_n3A_879 = arith.select %and3A_876, %sub3A_878, %div3A_857 : i32
      %jit3A_880 = arith.constant 8 : i32
      %eq3A_881 = arith.constant 0 : i32
      %eq3A_882 = arith.cmpi eq, %jit3A_880, %eq3A_881 : i32
      %jit3A_883 = arith.constant 1 : i32
      %select_n3A_884 = arith.select %eq3A_882, %jit3A_883, %jit3A_880 : i32
      %rem3A_885 = arith.remsi %add3A_853, %select_n3A_884 : i32
      %ne3A_886 = arith.constant 0 : i32
      %ne3A_887 = arith.cmpi ne, %rem3A_885, %ne3A_886 : i32
      %lt3A_888 = arith.constant 0 : i32
      %lt3A_889 = arith.cmpi slt, %rem3A_885, %lt3A_888 : i32
      %lt3A_890 = arith.constant 0 : i32
      %lt3A_891 = arith.cmpi slt, %select_n3A_884, %lt3A_890 : i32
      %ne3A_892 = arith.xori %lt3A_889, %lt3A_891 : i1
      %and3A_893 = arith.andi %ne3A_892, %ne3A_887 : i1
      %add3A_894 = arith.addi %rem3A_885, %select_n3A_884 : i32
      %select_n3A_895 = arith.select %and3A_893, %add3A_894, %rem3A_885 : i32
      %dma_start3A_896 = arith.constant 0 : i32
      %dma_start3A_897 = tpu.memref_slice %arg6[%select_n3A_879, %select_n3A_895, %dma_start3A_896] : memref<34x8x64xf32, #tpu.memory_space<vmem>> -> memref<1x1x64xf32, #tpu.memory_space<vmem>>
      %dma_start3A_898 = tpu.memref_squeeze %dma_start3A_897 : memref<1x1x64xf32, #tpu.memory_space<vmem>> -> memref<64xf32, #tpu.memory_space<vmem>>
      %dma_start3A_899 = arith.constant 0 : i32
      %dma_start3A_900 = tpu.memref_slice %arg3[%squeeze3A_855, %dma_start3A_899] : memref<1000000x64xf32, #tpu.memory_space<hbm>> -> memref<1x64xf32, #tpu.memory_space<hbm>>
      %dma_start3A_901 = tpu.memref_squeeze %dma_start3A_900 : memref<1x64xf32, #tpu.memory_space<hbm>> -> memref<64xf32, #tpu.memory_space<hbm>>
      %dma_start3A_902 = arith.constant 0 : i32
      %dma_start3A_903 = tpu.memref_slice %arg6[%select_n3A_879, %select_n3A_895, %dma_start3A_902] : memref<34x8x64xf32, #tpu.memory_space<vmem>> -> memref<1x1x64xf32, #tpu.memory_space<vmem>>
      %dma_start3A_904 = tpu.memref_squeeze %dma_start3A_903 : memref<1x1x64xf32, #tpu.memory_space<vmem>> -> memref<64xf32, #tpu.memory_space<vmem>>
      %dma_start3A_905 = arith.constant 0 : i32
      %dma_start3A_906 = tpu.memref_slice %arg3[%squeeze3A_855, %dma_start3A_905] : memref<1000000x64xf32, #tpu.memory_space<hbm>> -> memref<1x64xf32, #tpu.memory_space<hbm>>
      %dma_start3A_907 = tpu.memref_squeeze %dma_start3A_906 : memref<1x64xf32, #tpu.memory_space<hbm>> -> memref<64xf32, #tpu.memory_space<hbm>>
      tpu.enqueue_dma source(%dma_start3A_907 : memref<64xf32, #tpu.memory_space<hbm>>) target(%dma_start3A_904 : memref<64xf32, #tpu.memory_space<vmem>>) target_semaphore(%arg7 : memref<!tpu.dma_semaphore, #tpu.memory_space<semaphore_mem>>)
      %scan3A_908 = arith.constant 0 : i32
      scf.yield %scan3A_908 : i32
    }
    %scan3A_8 = arith.constant 17 : i32
    %scan3A_9 = arith.constant 0 : i32
    %scan3A_10 = arith.constant 0 : i32
    %scan3A_11 = arith.constant 272 : i32
    %scan3A_12 = arith.addi %scan3A_10, %scan3A_11 : i32
    %scan3A_13 = arith.constant 1 : i32
    %scan3A_14 = scf.for %scan3A_18 = %scan3A_10 to %scan3A_12 step %scan3A_13 iter_args(%scan3A_19 = %scan3A_9) -> (i32)  : i32 {
      %dma_wait3A = arith.constant 0 : i32
      %dma_wait3A_20 = arith.constant 0 : i32
      %dma_wait3A_21 = arith.constant 0 : i32
      %dma_wait3A_22 = arith.constant 0 : i32
      %dma_wait3A_23 = tpu.memref_slice %arg6[%dma_wait3A_20, %dma_wait3A_21, %dma_wait3A_22] : memref<34x8x64xf32, #tpu.memory_space<vmem>> -> memref<1x1x64xf32, #tpu.memory_space<vmem>>
      %dma_wait3A_24 = tpu.memref_squeeze %dma_wait3A_23 : memref<1x1x64xf32, #tpu.memory_space<vmem>> -> memref<64xf32, #tpu.memory_space<vmem>>
      %dma_wait3A_25 = arith.constant 0 : i32
      %dma_wait3A_26 = tpu.memref_slice %arg3[%dma_wait3A, %dma_wait3A_25] : memref<1000000x64xf32, #tpu.memory_space<hbm>> -> memref<1x64xf32, #tpu.memory_space<hbm>>
      %dma_wait3A_27 = tpu.memref_squeeze %dma_wait3A_26 : memref<1x64xf32, #tpu.memory_space<hbm>> -> memref<64xf32, #tpu.memory_space<hbm>>
      %dma_wait3A_28 = arith.constant 0 : i32
      %dma_wait3A_29 = tpu.memref_slice %arg6[%dma_wait3A_20, %dma_wait3A_21, %dma_wait3A_28] : memref<34x8x64xf32, #tpu.memory_space<vmem>> -> memref<1x1x64xf32, #tpu.memory_space<vmem>>
      %dma_wait3A_30 = tpu.memref_squeeze %dma_wait3A_29 : memref<1x1x64xf32, #tpu.memory_space<vmem>> -> memref<64xf32, #tpu.memory_space<vmem>>
      %dma_wait3A_31 = arith.constant 0 : i32
      %dma_wait3A_32 = tpu.memref_slice %arg3[%dma_wait3A, %dma_wait3A_31] : memref<1000000x64xf32, #tpu.memory_space<hbm>> -> memref<1x64xf32, #tpu.memory_space<hbm>>
      %dma_wait3A_33 = tpu.memref_squeeze %dma_wait3A_32 : memref<1x64xf32, #tpu.memory_space<hbm>> -> memref<64xf32, #tpu.memory_space<hbm>>
      tpu.wait_dma2 semaphore(%arg7 : memref<!tpu.dma_semaphore, #tpu.memory_space<semaphore_mem>>) src(%dma_wait3A_33 : memref<64xf32, #tpu.memory_space<hbm>>) dst(%dma_wait3A_30 : memref<64xf32, #tpu.memory_space<vmem>>)
      %scan3A_34 = arith.constant 0 : i32
      scf.yield %scan3A_34 : i32
    }
    %scan3A_15 = arith.constant 272 : i32
    %mul3A_16 = arith.constant 34 : i32
    %mul3A_17 = arith.muli %add3A, %mul3A_16 : i32
    "tpu.region"() ({
      %run_scoped3A = tpu.sem_alloc : memref<!tpu.dma_semaphore, #tpu.memory_space<semaphore_mem>>
      %dma_start3A = arith.constant 0 : i32
      %dma_start3A_18 = arith.constant 0 : i32
      %dma_start3A_19 = tpu.memref_slice %arg4[%mul3A_17, %dma_start3A, %dma_start3A_18] : memref<1088x8x64xf32, #tpu.memory_space<hbm>> -> memref<34x8x64xf32, #tpu.memory_space<hbm>>
      %dma_start3A_20 = arith.constant 0 : i32
      %dma_start3A_21 = arith.constant 0 : i32
      %dma_start3A_22 = tpu.memref_slice %arg4[%mul3A_17, %dma_start3A_20, %dma_start3A_21] : memref<1088x8x64xf32, #tpu.memory_space<hbm>> -> memref<34x8x64xf32, #tpu.memory_space<hbm>>
      tpu.enqueue_dma source(%arg6 : memref<34x8x64xf32, #tpu.memory_space<vmem>>) target(%dma_start3A_22 : memref<34x8x64xf32, #tpu.memory_space<hbm>>) target_semaphore(%run_scoped3A : memref<!tpu.dma_semaphore, #tpu.memory_space<semaphore_mem>>)
      %dma_wait3A = arith.constant 0 : i32
      %dma_wait3A_23 = arith.constant 0 : i32
      %dma_wait3A_24 = tpu.memref_slice %arg4[%mul3A_17, %dma_wait3A, %dma_wait3A_23] : memref<1088x8x64xf32, #tpu.memory_space<hbm>> -> memref<34x8x64xf32, #tpu.memory_space<hbm>>
      %dma_wait3A_25 = arith.constant 0 : i32
      %dma_wait3A_26 = arith.constant 0 : i32
      %dma_wait3A_27 = tpu.memref_slice %arg4[%mul3A_17, %dma_wait3A_25, %dma_wait3A_26] : memref<1088x8x64xf32, #tpu.memory_space<hbm>> -> memref<34x8x64xf32, #tpu.memory_space<hbm>>
      tpu.wait_dma2 semaphore(%run_scoped3A : memref<!tpu.dma_semaphore, #tpu.memory_space<semaphore_mem>>) src(%arg6 : memref<34x8x64xf32, #tpu.memory_space<vmem>>) dst(%dma_wait3A_27 : memref<34x8x64xf32, #tpu.memory_space<hbm>>)
      tpu.yield
    }) : () -> ()
    return
  }
}

module attributes {stable_mosaic.version = 14 : i64} {
  func.func @body(%arg0: memref<7680xi32, #tpu.memory_space<smem>>, %arg1: memref<1000000x64xf32, #tpu.memory_space<any>>, %arg2: memref<7680x64xf32, #tpu.memory_space<any>>, %arg3: memref<7680x64xf32, #tpu.memory_space<vmem>>, %arg4: memref<!tpu.dma_semaphore, #tpu.memory_space<semaphore_mem>>, %arg5: memref<!tpu.dma_semaphore, #tpu.memory_space<semaphore_mem>>, %arg6: memref<!tpu.dma_semaphore, #tpu.memory_space<semaphore_mem>>, %arg7: memref<!tpu.dma_semaphore, #tpu.memory_space<semaphore_mem>>, %arg8: memref<!tpu.dma_semaphore, #tpu.memory_space<semaphore_mem>>, %arg9: memref<!tpu.dma_semaphore, #tpu.memory_space<semaphore_mem>>, %arg10: memref<!tpu.dma_semaphore, #tpu.memory_space<semaphore_mem>>, %arg11: memref<!tpu.dma_semaphore, #tpu.memory_space<semaphore_mem>>) attributes {dimension_semantics = [], scalar_prefetch = 0 : i64, scratch_operands = 9 : i64, tpu.core_type = #tpu.core_type<tc>} {
    %scan3A = arith.constant 0 : i32
    %scan3A_0 = arith.constant 960 : i32
    %scan3A_1 = arith.addi %scan3A, %scan3A_0 : i32
    %scan3A_2 = arith.constant 1 : i32
    scf.for %scan3A_9 = %scan3A to %scan3A_1 step %scan3A_2  : i32 {
      %mul3A = arith.constant 8 : i32
      %mul3A_10 = arith.muli %scan3A_9, %mul3A : i32
      %add3A = arith.constant 0 : i32
      %add3A_11 = arith.addi %mul3A_10, %add3A : i32
      %get3A = arith.index_cast %add3A_11 : i32 to index
      %get3A_12 = memref.load %arg0[%get3A] : memref<7680xi32, #tpu.memory_space<smem>>
      %add3A_13 = arith.constant 0 : i32
      %add3A_14 = arith.addi %mul3A_10, %add3A_13 : i32
      %dma_start3A = arith.constant 0 : i32
      %dma_start3A_15 = tpu.memref_slice %arg3[%add3A_14, %dma_start3A] : memref<7680x64xf32, #tpu.memory_space<vmem>> -> memref<1x64xf32, #tpu.memory_space<vmem>>
      %dma_start3A_16 = arith.constant 0 : i32
      %dma_start3A_17 = tpu.memref_slice %arg1[%get3A_12, %dma_start3A_16] : memref<1000000x64xf32, #tpu.memory_space<any>> -> memref<1x64xf32, #tpu.memory_space<any>>
      tpu.enqueue_dma source(%dma_start3A_17 : memref<1x64xf32, #tpu.memory_space<any>>) target(%dma_start3A_15 : memref<1x64xf32, #tpu.memory_space<vmem>>) target_semaphore(%arg4 : memref<!tpu.dma_semaphore, #tpu.memory_space<semaphore_mem>>)
      %add3A_18 = arith.constant 1 : i32
      %add3A_19 = arith.addi %mul3A_10, %add3A_18 : i32
      %get3A_20 = arith.index_cast %add3A_19 : i32 to index
      %get3A_21 = memref.load %arg0[%get3A_20] : memref<7680xi32, #tpu.memory_space<smem>>
      %add3A_22 = arith.constant 1 : i32
      %add3A_23 = arith.addi %mul3A_10, %add3A_22 : i32
      %dma_start3A_24 = arith.constant 0 : i32
      %dma_start3A_25 = tpu.memref_slice %arg3[%add3A_23, %dma_start3A_24] : memref<7680x64xf32, #tpu.memory_space<vmem>> -> memref<1x64xf32, #tpu.memory_space<vmem>>
      %dma_start3A_26 = arith.constant 0 : i32
      %dma_start3A_27 = tpu.memref_slice %arg1[%get3A_21, %dma_start3A_26] : memref<1000000x64xf32, #tpu.memory_space<any>> -> memref<1x64xf32, #tpu.memory_space<any>>
      tpu.enqueue_dma source(%dma_start3A_27 : memref<1x64xf32, #tpu.memory_space<any>>) target(%dma_start3A_25 : memref<1x64xf32, #tpu.memory_space<vmem>>) target_semaphore(%arg5 : memref<!tpu.dma_semaphore, #tpu.memory_space<semaphore_mem>>)
      %add3A_28 = arith.constant 2 : i32
      %add3A_29 = arith.addi %mul3A_10, %add3A_28 : i32
      %get3A_30 = arith.index_cast %add3A_29 : i32 to index
      %get3A_31 = memref.load %arg0[%get3A_30] : memref<7680xi32, #tpu.memory_space<smem>>
      %add3A_32 = arith.constant 2 : i32
      %add3A_33 = arith.addi %mul3A_10, %add3A_32 : i32
      %dma_start3A_34 = arith.constant 0 : i32
      %dma_start3A_35 = tpu.memref_slice %arg3[%add3A_33, %dma_start3A_34] : memref<7680x64xf32, #tpu.memory_space<vmem>> -> memref<1x64xf32, #tpu.memory_space<vmem>>
      %dma_start3A_36 = arith.constant 0 : i32
      %dma_start3A_37 = tpu.memref_slice %arg1[%get3A_31, %dma_start3A_36] : memref<1000000x64xf32, #tpu.memory_space<any>> -> memref<1x64xf32, #tpu.memory_space<any>>
      tpu.enqueue_dma source(%dma_start3A_37 : memref<1x64xf32, #tpu.memory_space<any>>) target(%dma_start3A_35 : memref<1x64xf32, #tpu.memory_space<vmem>>) target_semaphore(%arg6 : memref<!tpu.dma_semaphore, #tpu.memory_space<semaphore_mem>>)
      %add3A_38 = arith.constant 3 : i32
      %add3A_39 = arith.addi %mul3A_10, %add3A_38 : i32
      %get3A_40 = arith.index_cast %add3A_39 : i32 to index
      %get3A_41 = memref.load %arg0[%get3A_40] : memref<7680xi32, #tpu.memory_space<smem>>
      %add3A_42 = arith.constant 3 : i32
      %add3A_43 = arith.addi %mul3A_10, %add3A_42 : i32
      %dma_start3A_44 = arith.constant 0 : i32
      %dma_start3A_45 = tpu.memref_slice %arg3[%add3A_43, %dma_start3A_44] : memref<7680x64xf32, #tpu.memory_space<vmem>> -> memref<1x64xf32, #tpu.memory_space<vmem>>
      %dma_start3A_46 = arith.constant 0 : i32
      %dma_start3A_47 = tpu.memref_slice %arg1[%get3A_41, %dma_start3A_46] : memref<1000000x64xf32, #tpu.memory_space<any>> -> memref<1x64xf32, #tpu.memory_space<any>>
      tpu.enqueue_dma source(%dma_start3A_47 : memref<1x64xf32, #tpu.memory_space<any>>) target(%dma_start3A_45 : memref<1x64xf32, #tpu.memory_space<vmem>>) target_semaphore(%arg7 : memref<!tpu.dma_semaphore, #tpu.memory_space<semaphore_mem>>)
      %add3A_48 = arith.constant 4 : i32
      %add3A_49 = arith.addi %mul3A_10, %add3A_48 : i32
      %get3A_50 = arith.index_cast %add3A_49 : i32 to index
      %get3A_51 = memref.load %arg0[%get3A_50] : memref<7680xi32, #tpu.memory_space<smem>>
      %add3A_52 = arith.constant 4 : i32
      %add3A_53 = arith.addi %mul3A_10, %add3A_52 : i32
      %dma_start3A_54 = arith.constant 0 : i32
      %dma_start3A_55 = tpu.memref_slice %arg3[%add3A_53, %dma_start3A_54] : memref<7680x64xf32, #tpu.memory_space<vmem>> -> memref<1x64xf32, #tpu.memory_space<vmem>>
      %dma_start3A_56 = arith.constant 0 : i32
      %dma_start3A_57 = tpu.memref_slice %arg1[%get3A_51, %dma_start3A_56] : memref<1000000x64xf32, #tpu.memory_space<any>> -> memref<1x64xf32, #tpu.memory_space<any>>
      tpu.enqueue_dma source(%dma_start3A_57 : memref<1x64xf32, #tpu.memory_space<any>>) target(%dma_start3A_55 : memref<1x64xf32, #tpu.memory_space<vmem>>) target_semaphore(%arg8 : memref<!tpu.dma_semaphore, #tpu.memory_space<semaphore_mem>>)
      %add3A_58 = arith.constant 5 : i32
      %add3A_59 = arith.addi %mul3A_10, %add3A_58 : i32
      %get3A_60 = arith.index_cast %add3A_59 : i32 to index
      %get3A_61 = memref.load %arg0[%get3A_60] : memref<7680xi32, #tpu.memory_space<smem>>
      %add3A_62 = arith.constant 5 : i32
      %add3A_63 = arith.addi %mul3A_10, %add3A_62 : i32
      %dma_start3A_64 = arith.constant 0 : i32
      %dma_start3A_65 = tpu.memref_slice %arg3[%add3A_63, %dma_start3A_64] : memref<7680x64xf32, #tpu.memory_space<vmem>> -> memref<1x64xf32, #tpu.memory_space<vmem>>
      %dma_start3A_66 = arith.constant 0 : i32
      %dma_start3A_67 = tpu.memref_slice %arg1[%get3A_61, %dma_start3A_66] : memref<1000000x64xf32, #tpu.memory_space<any>> -> memref<1x64xf32, #tpu.memory_space<any>>
      tpu.enqueue_dma source(%dma_start3A_67 : memref<1x64xf32, #tpu.memory_space<any>>) target(%dma_start3A_65 : memref<1x64xf32, #tpu.memory_space<vmem>>) target_semaphore(%arg9 : memref<!tpu.dma_semaphore, #tpu.memory_space<semaphore_mem>>)
      %add3A_68 = arith.constant 6 : i32
      %add3A_69 = arith.addi %mul3A_10, %add3A_68 : i32
      %get3A_70 = arith.index_cast %add3A_69 : i32 to index
      %get3A_71 = memref.load %arg0[%get3A_70] : memref<7680xi32, #tpu.memory_space<smem>>
      %add3A_72 = arith.constant 6 : i32
      %add3A_73 = arith.addi %mul3A_10, %add3A_72 : i32
      %dma_start3A_74 = arith.constant 0 : i32
      %dma_start3A_75 = tpu.memref_slice %arg3[%add3A_73, %dma_start3A_74] : memref<7680x64xf32, #tpu.memory_space<vmem>> -> memref<1x64xf32, #tpu.memory_space<vmem>>
      %dma_start3A_76 = arith.constant 0 : i32
      %dma_start3A_77 = tpu.memref_slice %arg1[%get3A_71, %dma_start3A_76] : memref<1000000x64xf32, #tpu.memory_space<any>> -> memref<1x64xf32, #tpu.memory_space<any>>
      tpu.enqueue_dma source(%dma_start3A_77 : memref<1x64xf32, #tpu.memory_space<any>>) target(%dma_start3A_75 : memref<1x64xf32, #tpu.memory_space<vmem>>) target_semaphore(%arg10 : memref<!tpu.dma_semaphore, #tpu.memory_space<semaphore_mem>>)
      %add3A_78 = arith.constant 7 : i32
      %add3A_79 = arith.addi %mul3A_10, %add3A_78 : i32
      %get3A_80 = arith.index_cast %add3A_79 : i32 to index
      %get3A_81 = memref.load %arg0[%get3A_80] : memref<7680xi32, #tpu.memory_space<smem>>
      %add3A_82 = arith.constant 7 : i32
      %add3A_83 = arith.addi %mul3A_10, %add3A_82 : i32
      %dma_start3A_84 = arith.constant 0 : i32
      %dma_start3A_85 = tpu.memref_slice %arg3[%add3A_83, %dma_start3A_84] : memref<7680x64xf32, #tpu.memory_space<vmem>> -> memref<1x64xf32, #tpu.memory_space<vmem>>
      %dma_start3A_86 = arith.constant 0 : i32
      %dma_start3A_87 = tpu.memref_slice %arg1[%get3A_81, %dma_start3A_86] : memref<1000000x64xf32, #tpu.memory_space<any>> -> memref<1x64xf32, #tpu.memory_space<any>>
      tpu.enqueue_dma source(%dma_start3A_87 : memref<1x64xf32, #tpu.memory_space<any>>) target(%dma_start3A_85 : memref<1x64xf32, #tpu.memory_space<vmem>>) target_semaphore(%arg11 : memref<!tpu.dma_semaphore, #tpu.memory_space<semaphore_mem>>)
    }
    %scan3A_3 = arith.constant 960 : i32
    %scan3A_4 = arith.constant 0 : i32
    %scan3A_5 = arith.constant 960 : i32
    %scan3A_6 = arith.addi %scan3A_4, %scan3A_5 : i32
    %scan3A_7 = arith.constant 1 : i32
    scf.for %scan3A_9 = %scan3A_4 to %scan3A_6 step %scan3A_7  : i32 {
      %mul3A = arith.constant 8 : i32
      %mul3A_10 = arith.muli %scan3A_9, %mul3A : i32
      %add3A = arith.constant 0 : i32
      %add3A_11 = arith.addi %mul3A_10, %add3A : i32
      %dma_wait3A = arith.constant 0 : i32
      %dma_wait3A_12 = tpu.memref_slice %arg3[%add3A_11, %dma_wait3A] : memref<7680x64xf32, #tpu.memory_space<vmem>> -> memref<1x64xf32, #tpu.memory_space<vmem>>
      %dma_wait3A_13 = arith.constant 0 : i32
      %dma_wait3A_14 = arith.constant 0 : i32
      %dma_wait3A_15 = tpu.memref_slice %arg1[%dma_wait3A_13, %dma_wait3A_14] : memref<1000000x64xf32, #tpu.memory_space<any>> -> memref<1x64xf32, #tpu.memory_space<any>>
      tpu.wait_dma2 semaphore(%arg4 : memref<!tpu.dma_semaphore, #tpu.memory_space<semaphore_mem>>) src(%dma_wait3A_15 : memref<1x64xf32, #tpu.memory_space<any>>) dst(%dma_wait3A_12 : memref<1x64xf32, #tpu.memory_space<vmem>>)
      %add3A_16 = arith.constant 1 : i32
      %add3A_17 = arith.addi %mul3A_10, %add3A_16 : i32
      %dma_wait3A_18 = arith.constant 0 : i32
      %dma_wait3A_19 = tpu.memref_slice %arg3[%add3A_17, %dma_wait3A_18] : memref<7680x64xf32, #tpu.memory_space<vmem>> -> memref<1x64xf32, #tpu.memory_space<vmem>>
      %dma_wait3A_20 = arith.constant 0 : i32
      %dma_wait3A_21 = arith.constant 0 : i32
      %dma_wait3A_22 = tpu.memref_slice %arg1[%dma_wait3A_20, %dma_wait3A_21] : memref<1000000x64xf32, #tpu.memory_space<any>> -> memref<1x64xf32, #tpu.memory_space<any>>
      tpu.wait_dma2 semaphore(%arg5 : memref<!tpu.dma_semaphore, #tpu.memory_space<semaphore_mem>>) src(%dma_wait3A_22 : memref<1x64xf32, #tpu.memory_space<any>>) dst(%dma_wait3A_19 : memref<1x64xf32, #tpu.memory_space<vmem>>)
      %add3A_23 = arith.constant 2 : i32
      %add3A_24 = arith.addi %mul3A_10, %add3A_23 : i32
      %dma_wait3A_25 = arith.constant 0 : i32
      %dma_wait3A_26 = tpu.memref_slice %arg3[%add3A_24, %dma_wait3A_25] : memref<7680x64xf32, #tpu.memory_space<vmem>> -> memref<1x64xf32, #tpu.memory_space<vmem>>
      %dma_wait3A_27 = arith.constant 0 : i32
      %dma_wait3A_28 = arith.constant 0 : i32
      %dma_wait3A_29 = tpu.memref_slice %arg1[%dma_wait3A_27, %dma_wait3A_28] : memref<1000000x64xf32, #tpu.memory_space<any>> -> memref<1x64xf32, #tpu.memory_space<any>>
      tpu.wait_dma2 semaphore(%arg6 : memref<!tpu.dma_semaphore, #tpu.memory_space<semaphore_mem>>) src(%dma_wait3A_29 : memref<1x64xf32, #tpu.memory_space<any>>) dst(%dma_wait3A_26 : memref<1x64xf32, #tpu.memory_space<vmem>>)
      %add3A_30 = arith.constant 3 : i32
      %add3A_31 = arith.addi %mul3A_10, %add3A_30 : i32
      %dma_wait3A_32 = arith.constant 0 : i32
      %dma_wait3A_33 = tpu.memref_slice %arg3[%add3A_31, %dma_wait3A_32] : memref<7680x64xf32, #tpu.memory_space<vmem>> -> memref<1x64xf32, #tpu.memory_space<vmem>>
      %dma_wait3A_34 = arith.constant 0 : i32
      %dma_wait3A_35 = arith.constant 0 : i32
      %dma_wait3A_36 = tpu.memref_slice %arg1[%dma_wait3A_34, %dma_wait3A_35] : memref<1000000x64xf32, #tpu.memory_space<any>> -> memref<1x64xf32, #tpu.memory_space<any>>
      tpu.wait_dma2 semaphore(%arg7 : memref<!tpu.dma_semaphore, #tpu.memory_space<semaphore_mem>>) src(%dma_wait3A_36 : memref<1x64xf32, #tpu.memory_space<any>>) dst(%dma_wait3A_33 : memref<1x64xf32, #tpu.memory_space<vmem>>)
      %add3A_37 = arith.constant 4 : i32
      %add3A_38 = arith.addi %mul3A_10, %add3A_37 : i32
      %dma_wait3A_39 = arith.constant 0 : i32
      %dma_wait3A_40 = tpu.memref_slice %arg3[%add3A_38, %dma_wait3A_39] : memref<7680x64xf32, #tpu.memory_space<vmem>> -> memref<1x64xf32, #tpu.memory_space<vmem>>
      %dma_wait3A_41 = arith.constant 0 : i32
      %dma_wait3A_42 = arith.constant 0 : i32
      %dma_wait3A_43 = tpu.memref_slice %arg1[%dma_wait3A_41, %dma_wait3A_42] : memref<1000000x64xf32, #tpu.memory_space<any>> -> memref<1x64xf32, #tpu.memory_space<any>>
      tpu.wait_dma2 semaphore(%arg8 : memref<!tpu.dma_semaphore, #tpu.memory_space<semaphore_mem>>) src(%dma_wait3A_43 : memref<1x64xf32, #tpu.memory_space<any>>) dst(%dma_wait3A_40 : memref<1x64xf32, #tpu.memory_space<vmem>>)
      %add3A_44 = arith.constant 5 : i32
      %add3A_45 = arith.addi %mul3A_10, %add3A_44 : i32
      %dma_wait3A_46 = arith.constant 0 : i32
      %dma_wait3A_47 = tpu.memref_slice %arg3[%add3A_45, %dma_wait3A_46] : memref<7680x64xf32, #tpu.memory_space<vmem>> -> memref<1x64xf32, #tpu.memory_space<vmem>>
      %dma_wait3A_48 = arith.constant 0 : i32
      %dma_wait3A_49 = arith.constant 0 : i32
      %dma_wait3A_50 = tpu.memref_slice %arg1[%dma_wait3A_48, %dma_wait3A_49] : memref<1000000x64xf32, #tpu.memory_space<any>> -> memref<1x64xf32, #tpu.memory_space<any>>
      tpu.wait_dma2 semaphore(%arg9 : memref<!tpu.dma_semaphore, #tpu.memory_space<semaphore_mem>>) src(%dma_wait3A_50 : memref<1x64xf32, #tpu.memory_space<any>>) dst(%dma_wait3A_47 : memref<1x64xf32, #tpu.memory_space<vmem>>)
      %add3A_51 = arith.constant 6 : i32
      %add3A_52 = arith.addi %mul3A_10, %add3A_51 : i32
      %dma_wait3A_53 = arith.constant 0 : i32
      %dma_wait3A_54 = tpu.memref_slice %arg3[%add3A_52, %dma_wait3A_53] : memref<7680x64xf32, #tpu.memory_space<vmem>> -> memref<1x64xf32, #tpu.memory_space<vmem>>
      %dma_wait3A_55 = arith.constant 0 : i32
      %dma_wait3A_56 = arith.constant 0 : i32
      %dma_wait3A_57 = tpu.memref_slice %arg1[%dma_wait3A_55, %dma_wait3A_56] : memref<1000000x64xf32, #tpu.memory_space<any>> -> memref<1x64xf32, #tpu.memory_space<any>>
      tpu.wait_dma2 semaphore(%arg10 : memref<!tpu.dma_semaphore, #tpu.memory_space<semaphore_mem>>) src(%dma_wait3A_57 : memref<1x64xf32, #tpu.memory_space<any>>) dst(%dma_wait3A_54 : memref<1x64xf32, #tpu.memory_space<vmem>>)
      %add3A_58 = arith.constant 7 : i32
      %add3A_59 = arith.addi %mul3A_10, %add3A_58 : i32
      %dma_wait3A_60 = arith.constant 0 : i32
      %dma_wait3A_61 = tpu.memref_slice %arg3[%add3A_59, %dma_wait3A_60] : memref<7680x64xf32, #tpu.memory_space<vmem>> -> memref<1x64xf32, #tpu.memory_space<vmem>>
      %dma_wait3A_62 = arith.constant 0 : i32
      %dma_wait3A_63 = arith.constant 0 : i32
      %dma_wait3A_64 = tpu.memref_slice %arg1[%dma_wait3A_62, %dma_wait3A_63] : memref<1000000x64xf32, #tpu.memory_space<any>> -> memref<1x64xf32, #tpu.memory_space<any>>
      tpu.wait_dma2 semaphore(%arg11 : memref<!tpu.dma_semaphore, #tpu.memory_space<semaphore_mem>>) src(%dma_wait3A_64 : memref<1x64xf32, #tpu.memory_space<any>>) dst(%dma_wait3A_61 : memref<1x64xf32, #tpu.memory_space<vmem>>)
    }
    %scan3A_8 = arith.constant 960 : i32
    tpu.enqueue_dma source(%arg3 : memref<7680x64xf32, #tpu.memory_space<vmem>>) target(%arg2 : memref<7680x64xf32, #tpu.memory_space<any>>) target_semaphore(%arg4 : memref<!tpu.dma_semaphore, #tpu.memory_space<semaphore_mem>>)
    tpu.wait_dma2 semaphore(%arg4 : memref<!tpu.dma_semaphore, #tpu.memory_space<semaphore_mem>>) src(%arg3 : memref<7680x64xf32, #tpu.memory_space<vmem>>) dst(%arg2 : memref<7680x64xf32, #tpu.memory_space<any>>)
    return
  }
}

</mosaic_0001>

<sc_bundles>
// kernel: kernel.4.cloned.1.call-start
scs
__scs_entry_jumppad:
0x0: {  	(pc) =	sbr.rel $0x88, $3  }
0x1: {  	(tag) =	ssettag $0x0;
	lr =	simm.s32 $0x1  }
0x2: {  	[smem:$0x3F9F] =	sst lr;
	_ =	strace $0xD0000000  }
0x3: {  	_ = 	snop  }
0x4: {  	_ = 	snop  }
0x5: {  	_ = 	snop  }
0x6: {  	_ = 	snop  }
0x7: {  	_ = 	snop  }
__scs_overlays_trampoline_lowered:
0x8: {  	[smem:$0x3FAE] =	sst s0  }
0x9: {  	[smem:$0x3FAF] =	sst s1  }
0xa: {  	[smem:$0x3FB0] =	sst s2  }
0xb: {  	[smem:$0x3FB1] =	sst s3  }
0xc: {  	[smem:$0x3FB2] =	sst s4  }
0xd: {  	[smem:$0x3FB3] =	sst s5  }
0xe: {  	[smem:$0x3FB4] =	sst s6  }
0xf: {  	[smem:$0x3FB5] =	sst s7  }
0x10: {  	[smem:$0x3FB6] =	sst s8  }
0x11: {  	[smem:$0x3FB7] =	sst s9;
	s0 =	simm.s32 @!p0 $0x0  }
0x12: {  	s1 =	sld [smem:$0x3F9D];
	s0 =	simm.s32 @p0 $0x1  }
0x13: {  	[smem:$0x3FB8] =	sst s0;
	s0 =	simm.s32 @!p1 $0x0  }
0x14: {  	s2 =	sld [smem:$0x3F9C];
	s0 =	simm.s32 @p1 $0x1  }
0x15: {  	[smem:$0x3FB9] =	sst s0;
	s0 =	simm.s32 @!p2 $0x0  }
0x16: {  	s3 =	sld [smem:$0x3FDB];
	s0 =	simm.s32 @p2 $0x1  }
0x17: {  	s4 =	simm.s32 $0x1BF5;
	[smem:$0x3FBB] =	sst s0  }
0x18: {  	s0 =	sld [smem:$0x3F9E];
	_ =	swait.ge [sflag:s4], $0x0  }
0x19: {  	s7 =	sld [smem:$0x3F9F]  }
0x1a: {  	s8 =	sadd.s32 $0xFFFFE003, lr  }
0x1b: {  	s9 =	sadd.s32 $0xFFFFFEF7, lr;
	s5 =	simm.s32 $0xFFFFFFFF;
	p2 =	slt.u32 s8, $0xFFFFF086  }
0x1c: {  	p1 =	slt.u32 s9, $0xF7A;
	s5 =	simm.s32 @!p2 $0x0  }
0x1d: {  	s5 =	simm.s32 @p1 $0x1;
	p0 =	seq.s32 s7, s2  }
0x1e: {  	s7 =	smul.u32 @!p0 $0xF7A, s2;
	p2 =	seq.s32 @!p0 s5, $0x0  }
0x1f: {  	s9 =	smul.u32 $0xF7A, s1;
	s8 =	simm.s32 @!p0 $0x1BF5;
	p2 =	por !p2, p0  }
0x20: {  	[sflag:s8] =	ssyncset.s32 @!p0 $0xFFFFF086;
	s6 =	sadd.s32 @!p0 s3, s7;
	s7 =	simm.s32 @!p0 $0x108  }
0x21: {  	s3 =	sadd.s32 s3, s9;
	s6 =	sadd.s32 @!p0 $0x88, s6;
	s7 =	simm.s32 @p2 $0x1082  }
0x22: {  	[simem:s7], [sflag:s8] =	dma.local @!p0 [hbm:s6], $0xF7A  }
0x23: {  	s9 =	sor.u32 $0xD0000000, s2;
	s6 =	simm.s32 $0x108;
	_ =	swait.ge @!p0 [sflag:s8], $0x0  }
0x24: {  	s3 =	sadd.s32 $0x88, s3;
	s6 =	simm.s32 @!p1 $0x1082;
	[sflag:s4] =	ssyncset.s32 $0xFFFFF086  }
0x25: {  	[simem:s6], [sflag:s4] =	dma.local [hbm:s3], $0xF7A  }
0x26: {  	[smem:$0x3F9F] =	sst s1;
	(tag) =	ssettag s2;
	_ =	strace s9  }
0x27: {  	s1 =	sld [smem:$0x3FAF]  }
0x28: {  	s2 =	sld [smem:$0x3FB0]  }
0x29: {  	s4 =	sld [smem:$0x3FB2]  }
0x2a: {  	p0 =	seq.s32 s5, $0x0;
	s5 =	sld [smem:$0x3FB3]  }
0x2b: {  	s6 =	sld [smem:$0x3FB4]  }
0x2c: {  	s7 =	sld [smem:$0x3FB5]  }
0x2d: {  	s3 =	simm.s32 $0x108;
	s8 =	sld [smem:$0x3FB6]  }
0x2e: {  	s3 =	simm.s32 @!p0 $0x1082;
	s9 =	sld [smem:$0x3FB7]  }
0x2f: {  	lr =	sadd.s32 s0, s3;
	s0 =	sld [smem:$0x3FAE]  }
0x30: {  	s3 =	sld [smem:$0x3FB1]  }
0x31: {  	[smem:$0x3FBA] =	sst s10  }
0x32: {  	s10 =	sld [smem:$0x3FB8];
	_ =	sdelay $0x3  }
0x33: {  	p0 =	seq.s32 s10, $0x1;
	s10 =	sld [smem:$0x3FBA];
	_ =	sdelay $0x3  }
0x34: {  	[smem:$0x3FBA] =	sst s10  }
0x35: {  	s10 =	sld [smem:$0x3FB9];
	_ =	sdelay $0x3  }
0x36: {  	p1 =	seq.s32 s10, $0x1;
	s10 =	sld [smem:$0x3FBA];
	_ =	sdelay $0x3  }
0x37: {  	[smem:$0x3FBA] =	sst s10  }
0x38: {  	s10 =	sld [smem:$0x3FBB]  }
0x39: {  	_ = 	snop;
	(pc) =	sbr.ind lr, $3  }
0x3a: {  	_ = 	snop  }
0x3b: {  	_ = 	snop  }
0x3c: {  	p2 =	seq.s32 s10, $0x1;
	s10 =	sld [smem:$0x3FBA]  }
0x3d: {  	_ =	shalt  }
0x3e: {  	_ =	shalt  }
0x3f: {  	_ =	shalt  }
0x40: {  	_ =	shalt  }
0x41: {  	_ =	shalt  }
0x42: {  	_ =	shalt  }
0x43: {  	_ =	shalt  }
0x44: {  	_ =	shalt  }
0x45: {  	_ =	shalt  }
0x46: {  	_ =	shalt  }
0x47: {  	_ =	shalt  }
0x48: {  	_ =	shalt  }
0x49: {  	_ =	shalt  }
0x4a: {  	_ =	shalt  }
0x4b: {  	_ =	shalt  }
0x4c: {  	_ =	shalt  }
0x4d: {  	_ =	shalt  }
0x4e: {  	_ =	shalt  }
0x4f: {  	_ =	shalt  }
0x50: {  	_ =	shalt  }
0x51: {  	_ =	shalt  }
0x52: {  	_ =	shalt  }
0x53: {  	_ =	shalt  }
0x54: {  	_ =	shalt  }
0x55: {  	_ =	shalt  }
0x56: {  	_ =	shalt  }
0x57: {  	_ =	shalt  }
0x58: {  	_ =	shalt  }
0x59: {  	_ =	shalt  }
0x5a: {  	_ =	shalt  }
0x5b: {  	_ =	shalt  }
0x5c: {  	_ =	shalt  }
0x5d: {  	_ =	shalt  }
0x5e: {  	_ =	shalt  }
0x5f: {  	_ =	shalt  }
0x60: {  	_ =	shalt  }
0x61: {  	_ =	shalt  }
0x62: {  	_ =	shalt  }
0x63: {  	_ =	shalt  }
0x64: {  	_ =	shalt  }
0x65: {  	_ =	shalt  }
0x66: {  	_ =	shalt  }
0x67: {  	_ =	shalt  }
0x68: {  	_ =	shalt  }
0x69: {  	_ =	shalt  }
0x6a: {  	_ =	shalt  }
0x6b: {  	_ =	shalt  }
0x6c: {  	_ =	shalt  }
0x6d: {  	_ =	shalt  }
0x6e: {  	_ =	shalt  }
0x6f: {  	_ =	shalt  }
0x70: {  	_ =	shalt  }
0x71: {  	_ =	shalt  }
0x72: {  	_ =	shalt  }
0x73: {  	_ =	shalt  }
0x74: {  	_ =	shalt  }
0x75: {  	_ =	shalt  }
0x76: {  	_ =	shalt  }
0x77: {  	_ =	shalt  }
0x78: {  	_ =	shalt  }
0x79: {  	_ =	shalt  }
0x7a: {  	_ =	shalt  }
0x7b: {  	_ =	shalt  }
0x7c: {  	_ =	shalt  }
0x7d: {  	_ =	shalt  }
0x7e: {  	_ =	shalt  }
0x7f: {  	_ =	shalt  }
0x80: {  	_ =	shalt  }
0x81: {  	_ =	shalt  }
0x82: {  	_ =	shalt  }
0x83: {  	_ =	shalt  }
0x84: {  	_ =	shalt  }
0x85: {  	_ =	shalt  }
0x86: {  	_ =	shalt  }
0x87: {  	_ =	shalt  }
.Lfunc_end0:
.L_simem_size_0:
called_computation_lowered:
.L_overlay_start_0:
0x88: {  	s2 =	sld [smem:$0x3FD9]  }
0x89: {  	s3 =	sld [smem:$0x3FFE];
	_ =	sdelay $0x1  }
0x8a: {  	s1 =	srdreg.scid  }
0x8b: {  	s0 =	sand.u32 $0x1, s1  }
0x8c: {  	s17 =	sshll.u32 s0, $0xA;
	s2 =	sadd.s32 s3, s2  }
0x8d: {  	s2 =	sadd.s32 s2, s17  }
0x8e: {  	[smem:$0x3FC6] =	sst s2  }
0x8f: {  	_ = 	snop  }
0x90: {  	s2 =	sld [smem:$0x3FD0];
	(tm) =	ssettm $0x1  }
0x91: {  	s18 =	sld [smem:$0x3FFB];
	_ =	sdelay $0x3  }
0x92: {  	_ =	strace s18  }
0x93: {  	s3 =	sld [smem:$0x3FFC];
	_ =	sdelay $0x3  }
0x94: {  	_ =	strace s3  }
0x95: {  	s3 =	sld [smem:$0x3FFD];
	_ =	sdelay $0x3  }
0x96: {  	_ =	strace s3  }
0x97: {  	_ =	strace $0x8FFFFFFF  }
0x98: {  	s19 =	sld [smem:$0x3FDB];
	_ =	sdelay $0x1  }
0x99: {  	s4 =	simm.s32 $_scs_section_size  }
0x9a: {  	s5 =	simm.s32 $_size__tile_overlayer_lowered;
	s6 =	simm.s32 $_tile_overlayer_lowered  }
0x9b: {  	s22 =	simm.s32 $0x1BFF;
	s21 =	sshll.u32 s6, $0x1;
	s3 =	sadd.s32 s4, s19  }
0x9c: {  	s7 =	simm.s32 $0x0;
	s20 =	sshll.u32 s5, $0x1;
	s5 =	sadd.s32 s21, s3  }
0x9d: {  	[timem:s7], [sflag:s22] =	dma.local [hbm:s5], s20  }
0x9e: {  	_ =	swait.ge [sflag:s22], s20  }
0x9f: {  	s4 =	ssub.s32 $0x0, s20;
	[sflag:s22] =	ssyncset.done $0x0  }
0xa0: {  	[sflag:s22] =	ssyncadd.s32 s4;
	_ =	sdelay $0x1  }
0xa1: {  	s23 =	simm.s32 $0x1B8B  }
0xa2: {  	_ =	swait.ge [sflag:s23], $0x1  }
0xa3: {  	[sflag:s23] =	ssyncset.done $0x0  }
0xa4: {  	s25 =	simm.s32 $0x1B8E;
	s24 =	sld [smem:$0x3FFE];
	[sflag:s23] =	ssyncadd.s32 $0xFFFFFFFF  }
0xa5: {  	s26 =	simm.s32 $execute0_lowered;
	[smem:$0x3FD2] =	sst s25  }
0xa6: {  	s5 =	sshll.u32 s26, $0x1;
	_ =	strace $0x80000046;
	[dreg:$0x1] =	wrdreg $0xFFFFFFFF  }
0xa7: {  	s28 =	simm.s32 $_size_execute0_lowered;
	s3 =	sadd.s32 s3, s5;
	[dreg:$0x0] =	wrdreg $0x0  }
0xa8: {  	s5 =	sshll.u32 s28, $0x1;
	[dreg:$0x2] =	wrdreg s3  }
0xa9: {  	[dreg:$0x3] =	wrdreg s5  }
0xaa: {  	[dreg:$0x4] =	wrdreg $0xC0  }
0xab: {  	_ =	task [dreg:s7], $0x5FFFF  }
0xac: {  	[dreg:$0x1] =	wrdreg $0xFFFFFFFF  }
0xad: {  	[dreg:$0x0] =	wrdreg $0x60  }
0xae: {  	[dreg:$0x2] =	wrdreg s2  }
0xaf: {  	[dreg:$0x3] =	wrdreg s24  }
0xb0: {  	[dreg:$0x4] =	wrdreg $0x9  }
0xb1: {  	_ =	task.clear_ibuf [dreg:s7], $0x5FFFF;
	_ =	strace $0x90000046  }
0xb2: {  	s29 =	simm.s32 $0x9;
	_ =	strace $0x80000048  }
0xb3: {  	_ =	swait.ge [sflag:s29], $0x1  }
0xb4: {  	[sflag:s29] =	ssyncadd.s32 $0xFFFFFFFF  }
0xb5: {  	_ =	strace $0x90000048  }
0xb6: {  	_ =	sfence  }
0xb7: {  	s30 =	sld [smem:$0x0];
	_ =	sdelay $0x2  }
0xb8: {  	s31 =	sshll.u32 s1, $0xD;
	s1 =	sshrl.u32 s1, $0x2  }
0xb9: {  	s3 =	sand.u32 $0x4000, s31;
	s1 =	sadd.s32 s1, s30  }
0xba: {  	s0 =	sor.u32 s3, s0;
	s1 =	sshll.u32 s1, $0x11  }
0xbb: {  	s0 =	sor.u32 s1, s0  }
0xbc: {  	s0 =	sadd.s32 $0x8F2B, s0  }
0xbd: {  	[sflag:s0] =	ssyncadd.remote.s32 $0x1  }
0xbe: {  	_ =	sfence.sel $0xFFFF  }
0xbf: {  	[dreg:$0x0] =	wrdreg $0xFFFFFFFF;
	(pc) =	sbr.abs _section_cstart, $3  }
0xc0: {  	[dreg:$0x1] =	wrdreg $0xFFFFFFFF  }
0xc1: {  	_ =	task.clear_ibuf [dreg:s7], $0x2FFFF;
	_ =	strace $0x9FFFFFFF  }
0xc2: {  	(tm) =	ssettm $0x7FFFFFFF  }
0xc3: {  	_ =	shalt  }
tec
execute0_lowered:
.L_overlay_start_1:
0x0: {  	(tag) =	ssettag $0x1  }
0x1: {  	s1 =	srdreg.scid;
	s4 =	rddreg [dreg:$0x0]  }
0x2: {  	s0 =	stileid.u32;
	s5 =	rddreg [dreg:$0x1]  }
0x3: {  	s2 =	simm.s32 $0x0;
	s3 =	sand.u32 $0x1, s1;
	s30 =	sshll.u32 s0, $0x1  }
0x4: {  	s10 =	simm.s32 $0x0;
	s1 =	rddreg [dreg:$0x2];
	s6 =	sor.u32 s3, s30  }
0x5: {  	[smem:$0x7FF] =	sst s2;
	s8 =	ssub.s32 $0x2, s3;
	s7 =	smul.u32 $0x1100, s6  }
0x6: {  	_ =	strace $0x80000047;
	s6 =	smul.u32 $0x22, s6;
	s9 =	sshrl.u32 s8, $0x1  }
0x7: {  	s3 =	sadd.s32 $0x600, s5;
	s31 =	ssub.s32 s8, s9;
	s8 =	simm.s32 $0x1  }
0x8: {  	s9 =	simm.s32 $0x180;
	s5 =	sadd.s32 s7, s5;
	s4 =	sadd.s32 s4, s6  }
0x9: {  	s6 =	smax.u32 s31, $0x1;
	s7 =	simm.s32 $0x2;
	s5 =	sadd.s32 $0xF42A00, s5  }
.LBB2_1:
0xa: {  	[tilespmem:s2], [sflag:$0x2] =	stream.linear.gather [hbm4b:s4+s2], $0x110, $0x38;
	[tilespmem:$0x8980] =	vst v63  }
0xb: {  	_ =	swait.ge [sflag:s7], $0x110  }
0xc: {  	[sflag:s7] =	ssyncset.done $0x0  }
0xd: {  	[sflag:s7] =	ssyncadd.s32 $0xFFFFFEF0  }
0xe: {  	v0 =	vld [tilespmem:s2+$0x0];
	_ =	sdelay $0x4  }
0xf: {  	v0 =	vshll.u32 v0, $0x4  }
0x10: {  	(v2sf) =	vpush v0, $0x0  }
0x11: {  	(v2sf) =	vpush v0, $0x1  }
0x12: {  	(v2sf) =	vpush v0, $0x2;
	_ =	sdelay $0x1  }
0x13: {  	(v2sf) =	vpush v0, $0x4;
	_ =	sdelay $0x1  }
0x14: {  	(v2sf) =	vpush v0, $0x3  }
0x15: {  	(v2sf) =	vpush v0, $0x5  }
0x16: {  	s12 =	simm.s32 $0x2000;
	s11 =	simm.s32 $0x0;
	s13 =	simm.s32 $0x0;
	(v2sf) =	vpush v0, $0x6  }
.LBB2_2:
0x17: {  	p0 =	sne.s32 s12, $0x20000  }
0x18: {  	s23 =	sadd.s32 $0x200, s11;
	s17 =	sadd.s32 $0x700, s11;
	s14 =	smov.u32 s12  }
0x19: {  	s12 =	sadd.s32 $0x2000, s12;
	s20 =	sadd.s32 $0x500, s11;
	s15 =	sadd.s32 $0x780, s11;
	(v2sf) =	vpush v0, $0x7  }
0x1a: {  	s22 =	sadd.s32 $0x400, s11;
	s19 =	sadd.s32 $0x580, s11;
	s16 =	sadd.s32 $0x800, s11  }
0x1b: {  	s24 =	sadd.s32 $0x180, s11;
	s25 =	sadd.s32 $0x380, s11;
	(v2sf) =	vpush v0, $0x8  }
0x1c: {  	s26 =	sadd.s32 $0x480, s11;
	s13 =	sadd.s32 $0x10, s13  }
0x1d: {  	s28 =	sadd.s32 $0x280, s11;
	s18 =	sadd.s32 $0x680, s11;
	s21 =	spop (v2sf);
	(v2sf) =	vpush v0, $0x9  }
0x1e: {  	s29 =	sand.u32 $0x1FFFFFF0, s21;
	s21 =	sadd.s32 $0x600, s11;
	s30 =	spop (v2sf)  }
0x1f: {  	s29 =	sadd.s32 s3, s29;
	s30 =	sand.u32 $0x1FFFFFF0, s30;
	s31 =	spop (v2sf);
	(v2sf) =	vpush v0, $0xA  }
0x20: {  	[tilespmem:s24], [sflag:$0x1] =	stream.linear.gather [hbm4b:s29+s2], $0x80, $0x38;
	[tilespmem:$0x8980] =	vst v63  }
0x21: {  	s24 =	sadd.s32 s3, s30;
	s29 =	sadd.s32 $0x300, s11;
	s30 =	spop (v2sf);
	(v2sf) =	vpush v0, $0xB  }
0x22: {  	[tilespmem:s23], [sflag:$0x1] =	stream.linear.gather [hbm4b:s24+s2], $0x80, $0x38;
	[tilespmem:$0x8980] =	vst v63  }
0x23: {  	s23 =	sand.u32 $0x1FFFFFF0, s31;
	s24 =	sand.u32 $0x1FFFFFF0, s30;
	s30 =	spop (v2sf);
	(v2sf) =	vpush v0, $0xC  }
0x24: {  	s23 =	sadd.s32 s3, s23;
	s30 =	sand.u32 $0x1FFFFFF0, s30;
	s31 =	spop (v2sf)  }
0x25: {  	[tilespmem:s28], [sflag:$0x1] =	stream.linear.gather [hbm4b:s23+s2], $0x80, $0x38;
	(v2sf) =	vpush v0, $0xD;
	[tilespmem:$0x8980] =	vst v63  }
0x26: {  	s23 =	sadd.s32 s3, s30;
	s28 =	sand.u32 $0x1FFFFFF0, s31;
	s30 =	spop (v2sf)  }
0x27: {  	[tilespmem:s29], [sflag:$0x1] =	stream.linear.gather [hbm4b:s23+s2], $0x80, $0x38;
	(v2sf) =	vpush v0, $0xE;
	[tilespmem:$0x8980] =	vst v63  }
0x28: {  	s23 =	sadd.s32 s3, s24;
	s24 =	sand.u32 $0x1FFFFFF0, s30;
	s29 =	spop (v2sf)  }
0x29: {  	[tilespmem:s25], [sflag:$0x1] =	stream.linear.gather [hbm4b:s23+s2], $0x80, $0x38;
	(v2sf) =	vpush v0, $0xF;
	[tilespmem:$0x8980] =	vst v63  }
0x2a: {  	s23 =	sadd.s32 s3, s28;
	s25 =	sand.u32 $0x1FFFFFF0, s29;
	s28 =	spop (v2sf)  }
0x2b: {  	[tilespmem:s22], [sflag:$0x1] =	stream.linear.gather [hbm4b:s23+s2], $0x80, $0x38;
	[tilespmem:$0x8980] =	vst v63  }
0x2c: {  	s22 =	sadd.s32 s3, s24;
	s23 =	sand.u32 $0x1FFFFFF0, s28;
	s24 =	spop (v2sf)  }
0x2d: {  	[tilespmem:s26], [sflag:$0x1] =	stream.linear.gather [hbm4b:s22+s2], $0x80, $0x38;
	[tilespmem:$0x8980] =	vst v63  }
0x2e: {  	s22 =	sadd.s32 s3, s25;
	s24 =	sand.u32 $0x1FFFFFF0, s24;
	s25 =	spop (v2sf)  }
0x2f: {  	[tilespmem:s20], [sflag:$0x1] =	stream.linear.gather [hbm4b:s22+s2], $0x80, $0x38;
	[tilespmem:$0x8980] =	vst v63  }
0x30: {  	s20 =	sadd.s32 s3, s23;
	s22 =	sand.u32 $0x1FFFFFF0, s25;
	s23 =	spop (v2sf)  }
0x31: {  	[tilespmem:s19], [sflag:$0x1] =	stream.linear.gather [hbm4b:s20+s2], $0x80, $0x38;
	[tilespmem:$0x8980] =	vst v63  }
0x32: {  	s19 =	sadd.s32 s3, s24;
	s20 =	sand.u32 $0x1FFFFFF0, s23;
	s23 =	spop (v2sf)  }
0x33: {  	[tilespmem:s21], [sflag:$0x1] =	stream.linear.gather [hbm4b:s19+s2], $0x80, $0x38;
	[tilespmem:$0x8980] =	vst v63  }
0x34: {  	s19 =	sadd.s32 s3, s22;
	s21 =	sand.u32 $0x1FFFFFF0, s23;
	s22 =	spop (v2sf)  }
0x35: {  	[tilespmem:s18], [sflag:$0x1] =	stream.linear.gather [hbm4b:s19+s2], $0x80, $0x38;
	[tilespmem:$0x8980] =	vst v63  }
0x36: {  	s18 =	sadd.s32 s3, s20;
	s19 =	sand.u32 $0x1FFFFFF0, s22;
	s20 =	spop (v2sf)  }
0x37: {  	[tilespmem:s17], [sflag:$0x1] =	stream.linear.gather [hbm4b:s18+s2], $0x80, $0x38;
	[tilespmem:$0x8980] =	vst v63  }
0x38: {  	s17 =	sadd.s32 s3, s21;
	s18 =	sand.u32 $0x1FFFFFF0, s20;
	s20 =	spop (v2sf)  }
0x39: {  	[tilespmem:s15], [sflag:$0x1] =	stream.linear.gather [hbm4b:s17+s2], $0x80, $0x38;
	[tilespmem:$0x8980] =	vst v63  }
0x3a: {  	s15 =	sadd.s32 s3, s19;
	s17 =	sand.u32 $0x1FFFFFF0, s20  }
0x3b: {  	[tilespmem:s16], [sflag:$0x1] =	stream.linear.gather [hbm4b:s15+s2], $0x80, $0x38;
	[tilespmem:$0x8980] =	vst v63  }
0x3c: {  	s15 =	sadd.s32 $0x880, s11;
	s16 =	sadd.s32 s3, s18  }
0x3d: {  	[tilespmem:s15], [sflag:$0x1] =	stream.linear.gather [hbm4b:s16+s2], $0x80, $0x38;
	[tilespmem:$0x8980] =	vst v63  }
0x3e: {  	s11 =	sadd.s32 $0x900, s11;
	s15 =	sadd.s32 s3, s17  }
0x3f: {  	[tilespmem:s11], [sflag:$0x1] =	stream.linear.gather [hbm4b:s15+s2], $0x80, $0x38;
	[tilespmem:$0x8980] =	vst v63  }
0x40: {  	v0 =	vld [tilespmem:s13+$0x0];
	_ =	sdelay $0x4  }
0x41: {  	v0 =	vshll.u32 v0, $0x4  }
0x42: {  	(v2sf) =	vpush v0, $0x0  }
0x43: {  	(v2sf) =	vpush v0, $0x1  }
0x44: {  	(v2sf) =	vpush v0, $0x2;
	_ =	sdelay $0x1  }
0x45: {  	(v2sf) =	vpush v0, $0x4  }
.Ltmp0:
0x46: {  	(pc) =	sbr.rel @p0 .LBB2_2-.Ltmp0, $3  }
0x47: {  	(v2sf) =	vpush v0, $0x3  }
0x48: {  	(v2sf) =	vpush v0, $0x5;
	_ =	sdelay $0x1  }
0x49: {  	s11 =	sshra.s32 s14, $0x2;
	(v2sf) =	vpush v0, $0x6  }
0x4a: {  	_ =	sdelay $0x1  }
0x4b: {  	s15 =	sadd.s32 $0x200, s11;
	s14 =	sadd.s32 $0x700, s11  }
0x4c: {  	s16 =	sadd.s32 $0x500, s11;
	s12 =	sadd.s32 $0x780, s11;
	(v2sf) =	vpush v0, $0x7;
	s17 =	sadd.s32 $0x400, s11  }
0x4d: {  	s18 =	sadd.s32 $0x580, s11;
	s13 =	sadd.s32 $0x800, s11;
	s19 =	sadd.s32 $0x180, s11  }
0x4e: {  	s20 =	sadd.s32 $0x380, s11;
	s21 =	sadd.s32 $0x480, s11;
	(v2sf) =	vpush v0, $0x8;
	s22 =	spop (v2sf)  }
0x4f: {  	s23 =	sadd.s32 $0x280, s11;
	s22 =	sand.u32 $0x1FFFFFF0, s22;
	s24 =	spop (v2sf)  }
0x50: {  	(v2sf) =	vpush v0, $0x9;
	s22 =	sadd.s32 s3, s22;
	s24 =	sand.u32 $0x1FFFFFF0, s24;
	s25 =	spop (v2sf)  }
0x51: {  	[tilespmem:s19], [sflag:$0x1] =	stream.linear.gather [hbm4b:s22+s2], $0x80, $0x38;
	[tilespmem:$0x8980] =	vst v63  }
0x52: {  	s26 =	sadd.s32 $0x300, s11;
	(v2sf) =	vpush v0, $0xA;
	s30 =	sadd.s32 s3, s24;
	s31 =	spop (v2sf)  }
0x53: {  	[tilespmem:s15], [sflag:$0x1] =	stream.linear.gather [hbm4b:s30+s2], $0x80, $0x38;
	[tilespmem:$0x8980] =	vst v63  }
0x54: {  	s19 =	sadd.s32 $0x680, s11;
	s28 =	sand.u32 $0x1FFFFFF0, s25;
	(v2sf) =	vpush v0, $0xB;
	s29 =	spop (v2sf)  }
0x55: {  	s22 =	sadd.s32 s3, s28;
	s15 =	sadd.s32 $0x600, s11;
	s25 =	sand.u32 $0x1FFFFFF0, s29  }
0x56: {  	(v2sf) =	vpush v0, $0xC;
	[tilespmem:s23], [sflag:$0x1] =	stream.linear.gather [hbm4b:s22+s2], $0x80, $0x38;
	[tilespmem:$0x8980] =	vst v63  }
0x57: {  	s30 =	sand.u32 $0x1FFFFFF0, s31;
	s31 =	spop (v2sf);
	s28 =	sadd.s32 s3, s25  }
0x58: {  	(v2sf) =	vpush v0, $0xD;
	[tilespmem:s26], [sflag:$0x1] =	stream.linear.gather [hbm4b:s28+s2], $0x80, $0x38;
	[tilespmem:$0x8980] =	vst v63  }
0x59: {  	s22 =	sadd.s32 s3, s30;
	s23 =	sand.u32 $0x1FFFFFF0, s31;
	s29 =	spop (v2sf)  }
0x5a: {  	(v2sf) =	vpush v0, $0xE;
	[tilespmem:s20], [sflag:$0x1] =	stream.linear.gather [hbm4b:s22+s2], $0x80, $0x38;
	[tilespmem:$0x8980] =	vst v63  }
0x5b: {  	s23 =	sadd.s32 s3, s23;
	s30 =	sand.u32 $0x1FFFFFF0, s29;
	s31 =	spop (v2sf)  }
0x5c: {  	(v2sf) =	vpush v0, $0xF;
	[tilespmem:s17], [sflag:$0x1] =	stream.linear.gather [hbm4b:s23+s2], $0x80, $0x38;
	[tilespmem:$0x8980] =	vst v63  }
0x5d: {  	s24 =	sand.u32 $0x1FFFFFF0, s31;
	s25 =	spop (v2sf);
	s20 =	sadd.s32 s3, s30  }
0x5e: {  	[tilespmem:s21], [sflag:$0x1] =	stream.linear.gather [hbm4b:s20+s2], $0x80, $0x38;
	[tilespmem:$0x8980] =	vst v63  }
0x5f: {  	s26 =	sand.u32 $0x1FFFFFF0, s25;
	s17 =	sadd.s32 s3, s24;
	s28 =	spop (v2sf)  }
0x60: {  	[tilespmem:s16], [sflag:$0x1] =	stream.linear.gather [hbm4b:s17+s2], $0x80, $0x38;
	[tilespmem:$0x8980] =	vst v63  }
0x61: {  	s20 =	sadd.s32 s3, s26;
	s29 =	sand.u32 $0x1FFFFFF0, s28;
	s30 =	spop (v2sf)  }
0x62: {  	[tilespmem:s18], [sflag:$0x1] =	stream.linear.gather [hbm4b:s20+s2], $0x80, $0x38;
	[tilespmem:$0x8980] =	vst v63  }
0x63: {  	s17 =	sand.u32 $0x1FFFFFF0, s30;
	s16 =	sadd.s32 s3, s29;
	s31 =	spop (v2sf)  }
0x64: {  	[tilespmem:s15], [sflag:$0x1] =	stream.linear.gather [hbm4b:s16+s2], $0x80, $0x38;
	[tilespmem:$0x8980] =	vst v63  }
0x65: {  	s17 =	sadd.s32 s3, s17;
	s20 =	sand.u32 $0x1FFFFFF0, s31;
	s21 =	spop (v2sf)  }
0x66: {  	[tilespmem:s19], [sflag:$0x1] =	stream.linear.gather [hbm4b:s17+s2], $0x80, $0x38;
	[tilespmem:$0x8980] =	vst v63  }
0x67: {  	s15 =	sadd.s32 s3, s20;
	s16 =	sand.u32 $0x1FFFFFF0, s21;
	s22 =	spop (v2sf)  }
0x68: {  	[tilespmem:s14], [sflag:$0x1] =	stream.linear.gather [hbm4b:s15+s2], $0x80, $0x38;
	[tilespmem:$0x8980] =	vst v63  }
0x69: {  	s23 =	sand.u32 $0x1FFFFFF0, s22;
	s16 =	sadd.s32 s3, s16;
	s24 =	spop (v2sf)  }
0x6a: {  	[tilespmem:s12], [sflag:$0x1] =	stream.linear.gather [hbm4b:s16+s2], $0x80, $0x38;
	[tilespmem:$0x8980] =	vst v63  }
0x6b: {  	s25 =	sand.u32 $0x1FFFFFF0, s24;
	s26 =	spop (v2sf);
	s14 =	sadd.s32 s3, s23  }
0x6c: {  	[tilespmem:s13], [sflag:$0x1] =	stream.linear.gather [hbm4b:s14+s2], $0x80, $0x38;
	[tilespmem:$0x8980] =	vst v63  }
0x6d: {  	s29 =	sadd.s32 $0x880, s11;
	s28 =	sand.u32 $0x1FFFFFF0, s26;
	s12 =	sadd.s32 s3, s25  }
0x6e: {  	[tilespmem:s29], [sflag:$0x1] =	stream.linear.gather [hbm4b:s12+s2], $0x80, $0x38;
	[tilespmem:$0x8980] =	vst v63  }
0x6f: {  	s30 =	sadd.s32 $0x900, s11;
	s31 =	sadd.s32 s3, s28  }
0x70: {  	[tilespmem:s30], [sflag:$0x1] =	stream.linear.gather [hbm4b:s31+s2], $0x80, $0x38;
	[tilespmem:$0x8980] =	vst v63  }
0x71: {  	_ =	swait.ge [sflag:s8], $0x80  }
0x72: {  	s11 =	simm.s32 $0x10F;
	[sflag:s8] =	ssyncset.done $0x0  }
.LBB2_4:
0x73: {  	p0 =	sne.s32 s11, $0x1;
	s11 =	sadd.s32 $0xFFFFFFFF, s11;
	[sflag:s8] =	ssyncadd.s32 $0xFFFFFF80  }
.Ltmp1:
0x74: {  	(pc) =	sbr.rel @p0 .LBB2_4-.Ltmp1, $3  }
0x75: {  	_ =	sdelay $0x1  }
0x76: {  	_ =	swait.ge [sflag:s8], $0x80  }
0x77: {  	[sflag:s8] =	ssyncset.done $0x0  }
0x78: {  	s10 =	sadd.s32 $0x1, s10  }
0x79: {  	p0 =	sne.s32 s10, s6  }
.Ltmp2:
0x7a: {  	[sflag:s8] =	ssyncadd.s32 $0xFFFFFF80;
	(pc) =	sbr.rel @p0 .LBB2_1-.Ltmp2, $4  }
0x7b: {  	[hbm4b:s5+s2] =	stream.linear.scatter [tilespmem:s9], [sflag:$0x2], $0x8800, $0x38;
	[tilespmem:$0x8980] =	vst v63  }
0x7c: {  	_ =	swait.ge [sflag:s7], $0x8800  }
0x7d: {  	[sflag:s7] =	ssyncset.done $0x0  }
0x7e: {  	[sflag:s7] =	ssyncadd.s32 $0xFFFF7800  }
0x7f: {  	_ =	sfence.sel $0x180000  }
0x80: {  	[bflag:$0x0] =	sbarrier.arrive $0xFFFF  }
0x81: {  	p0 =	sne.s32 s0, $0x0;
	_ =	strace $0x90000047  }
0x82: {  	s0 =	sadd.s32 @!p0 $0x100000, s1;
	[bflag:$0x2] =	sbarrier.arrive $0xFFFF  }
0x83: {  	[sflag:s0] =	ssyncadd.tile.s32 @!p0 $0x1;
	_ =	shalt  }
.Lfunc_end2:
_tile_overlayer_lowered:
.L_overlay_start_2:
0x84: {  	(tag) =	ssettag $0x2  }
0x85: {  	s0 =	rddreg [dreg:$0x0];
	s2 =	stileid.u32  }
0x86: {  	s1 =	rddreg [dreg:$0x1];
	p0 =	sne.s32 s2, $0x0  }
0x87: {  	s3 =	rddreg [dreg:$0x2];
	[bflag:$0x3] =	sbarrier.arrive $0xFFFF;
	s2 =	simm.s32 @!p0 $0x1C02  }
0x88: {  	[timem:s3], [sflag:s2] =	dma.local @!p0 [hbm:s0], s1  }
0x89: {  	s0 =	simm.s32 @!p0 $0x2  }
0x8a: {  	_ =	swait.ge @!p0 [sflag:s0], s1  }
0x8b: {  	s1 =	ssub.s32 @!p0 $0x0, s1;
	[sflag:s0] =	ssyncset.done @!p0 $0x0  }
0x8c: {  	[sflag:s0] =	ssyncadd.s32 @!p0 s1  }
0x8d: {  	[bflag:$0x3] =	sbarrier.arrive $0xFFFF  }
0x8e: {  	_ =	shalt  }

</sc_bundles>
